<compile_context>
chip_gen: v7x
topology: tpu7x:2x2x1
jax: 0.10.2.dev20260603
libtpu: 0.0.44.dev20260713+nightly
codegen_flags: <defaults>
</compile_context>

<pallas_src>
import jax
import jax.numpy as jnp
from jax import lax
from jax.experimental import pallas as pl
from jax.experimental.pallas import tpu as pltpu
from jax.experimental.pallas import tpu_sc as plsc

B, S, H, V, P, T = 32, 512, 768, 30522, 512, 2
EPS = 1e-12
L = 16
NW = 32
SS = S // NW
RB = 512
MAGIC = 0x5F3759DF


def _sc_body(ids2, am_flat, word_hbm, out_hbm, mask_hbm,
             rowidx_v, rawids_v, idsall_v, amall_v, maskall_v,
             b0, b1, b2, b3, g0, g1, g2, g3, w0, w1, w2, w3, sst):
    wid = lax.axis_index("s") * 2 + lax.axis_index("c")
    base_s = wid * SS
    bufs = (b0, b1, b2, b3)
    gsem = (g0, g1, g2, g3)
    wsem = (w0, w1, w2, w3)
    lane = lax.iota(jnp.int32, L)

    rowhi = wid // 8
    col = (wid % 8) * L
    rowidx_v[pl.ds(0, L)] = lane * 4 + rowhi
    rowidx_v[pl.ds(L, L)] = (lane + L) * 4 + rowhi
    pltpu.async_copy(ids2.at[rowidx_v], rawids_v, sst).wait()
    pltpu.sync_copy(am_flat.at[pl.ds(wid * S, S)], amall_v)

    def extract(k, c):
        idsall_v[k // 2, pl.ds((k % 2) * L, L)] = rawids_v[k, pl.ds(col, L)]
        return c
    lax.fori_loop(0, B, extract, 0)

    def mask_row(k, c):
        maskall_v[pl.ds(k * L, L)] = (1.0 - amall_v[pl.ds(k * L, L)]) * -10000.0
        return c
    lax.fori_loop(0, S // L, mask_row, 0)

    pltpu.async_copy(word_hbm.at[idsall_v.at[0]], b0, g0)
    pltpu.async_copy(word_hbm.at[idsall_v.at[1]], b1, g1)

    NC = B // 2

    def k_body(k, c0):
        for r in range(4):
            c = k * 4 + r
            rr = (r + 2) % 4

            @pl.when(c >= 2)
            def _():
                pltpu.make_async_copy(word_hbm.at[pl.ds(0, 2 * SS)],
                                      bufs[rr], wsem[rr]).wait()

            @pl.when(c + 2 < NC)
            def _():
                pltpu.async_copy(word_hbm.at[idsall_v.at[c + 2]], bufs[rr],
                                 gsem[rr])

            pltpu.make_async_copy(word_hbm.at[pl.ds(0, 2 * SS)], bufs[r],
                                  gsem[r]).wait()
            tok0 = (2 * c) * S + base_s
            tok1 = (2 * c + 1) * S + base_s
            pltpu.async_copy(bufs[r].at[pl.ds(0, SS)],
                             out_hbm.at[pl.ds(tok0, SS)], wsem[r])
            pltpu.async_copy(bufs[r].at[pl.ds(SS, SS)],
                             out_hbm.at[pl.ds(tok1, SS)], wsem[r])
        return c0
    lax.fori_loop(0, NC // 4, k_body, 0)

    pltpu.make_async_copy(word_hbm.at[pl.ds(0, 2 * SS)], b2, w2).wait()
    pltpu.make_async_copy(word_hbm.at[pl.ds(0, 2 * SS)], b3, w3).wait()
    pltpu.sync_copy(maskall_v, mask_hbm.at[pl.ds(wid * S, S)])


@jax.jit
def _sc_gather(ids2, am_flat, word):
    mesh = plsc.VectorSubcoreMesh(core_axis_name="c", subcore_axis_name="s")
    k = pl.kernel(
        _sc_body, mesh=mesh,
        out_type=(jax.ShapeDtypeStruct((B * S, H), jnp.float32),
                  jax.ShapeDtypeStruct((B * S,), jnp.float32)),
        scratch_types=[
            pltpu.VMEM((NW,), jnp.int32),
            pltpu.VMEM((NW, 128), jnp.int32),
            pltpu.VMEM((NW // 2, 2 * L), jnp.int32),
            pltpu.VMEM((S,), jnp.float32),
            pltpu.VMEM((S,), jnp.float32),
            pltpu.VMEM((2 * SS, H), jnp.float32),
            pltpu.VMEM((2 * SS, H), jnp.float32),
            pltpu.VMEM((2 * SS, H), jnp.float32),
            pltpu.VMEM((2 * SS, H), jnp.float32),
            pltpu.SemaphoreType.DMA,
            pltpu.SemaphoreType.DMA,
            pltpu.SemaphoreType.DMA,
            pltpu.SemaphoreType.DMA,
            pltpu.SemaphoreType.DMA,
            pltpu.SemaphoreType.DMA,
            pltpu.SemaphoreType.DMA,
            pltpu.SemaphoreType.DMA,
            pltpu.SemaphoreType.DMA,
        ],
    )
    return k(ids2, am_flat, word)


def _ln_body(we_ref, pe_ref, ttf_ref, te2_ref, gam_ref, bet_ref, out_ref):
    e = (we_ref[...] + pe_ref[...] + te2_ref[0:1, :]
         + ttf_ref[...] * (te2_ref[1:2, :] - te2_ref[0:1, :]))
    mean = jnp.mean(e, axis=1, keepdims=True)
    var = jnp.mean(jnp.square(e - mean), axis=1, keepdims=True)
    out_ref[...] = ((e - mean) * lax.rsqrt(var + EPS) * gam_ref[...]
                    + bet_ref[...])


@jax.jit
def _tc_ln(we_flat, pe, ttf, te2, gamma, beta):
    grid = (S // RB, B)
    return pl.pallas_call(
        _ln_body,
        grid=grid,
        in_specs=[
            pl.BlockSpec((RB, H), lambda pc, b: (b * (S // RB) + pc, 0)),
            pl.BlockSpec((RB, H), lambda pc, b: (pc, 0)),
            pl.BlockSpec((RB, 1), lambda pc, b: (b * (S // RB) + pc, 0)),
            pl.BlockSpec((T, H), lambda pc, b: (0, 0)),
            pl.BlockSpec((1, H), lambda pc, b: (0, 0)),
            pl.BlockSpec((1, H), lambda pc, b: (0, 0)),
        ],
        out_specs=pl.BlockSpec((RB, H), lambda pc, b: (b * (S // RB) + pc, 0)),
        out_shape=jax.ShapeDtypeStruct((B * S, H), jnp.float32),
    )(we_flat, pe, ttf, te2, gamma, beta)


def kernel(input_ids, attention_mask, token_type_ids, word_embeddings,
           position_embeddings, token_type_embeddings, ln_gamma, ln_beta):
    ids2 = input_ids.astype(jnp.int32).reshape(B * S // 128, 128)
    am_flat = attention_mask.astype(jnp.float32).reshape(B * S)
    we_flat, mask_flat = _sc_gather(ids2, am_flat, word_embeddings)
    ttf = token_type_ids.astype(jnp.float32).reshape(B * S, 1)
    out_flat = _tc_ln(we_flat, position_embeddings, ttf,
                      token_type_embeddings, ln_gamma.reshape(1, H),
                      ln_beta.reshape(1, H))
    return out_flat.reshape(B, S, H), mask_flat.reshape(B, S)

# --- scband reference (transcript-rebuilt; emitter-appended) ---
"""Pipeline reference for scband-emb-wrapper-37005438222451 (READ-ONLY COPY).

The authoritative reference and input builder live on the scoring server;
editing this copy changes nothing except your own understanding.
"""

import jax, jax.numpy as jnp
import numpy as np

B, S, H, V, P, T = 32, 512, 768, 30522, 512, 2
EPS = 1e-12

def setup_inputs(seed: int = 0) -> dict:
    key = jax.random.key(seed)
    ks = jax.random.split(key, 8)
    input_ids = jax.random.randint(ks[0], (B, S), 0, V, dtype=jnp.int64) if jax.config.jax_enable_x64 else jax.random.randint(ks[0], (B, S), 0, V, dtype=jnp.int32)
    attention_mask = jnp.ones((B, S), dtype=jnp.float32)
    token_type_ids = jax.random.randint(ks[1], (B, S), 0, T, dtype=jnp.int32)
    word_embeddings = jax.random.normal(ks[2], (V, H), dtype=jnp.float32) * 0.02
    position_embeddings = jax.random.normal(ks[3], (P, H), dtype=jnp.float32) * 0.02
    token_type_embeddings = jax.random.normal(ks[4], (T, H), dtype=jnp.float32) * 0.02
    ln_gamma = jnp.ones((H,), dtype=jnp.float32)
    ln_beta = jnp.zeros((H,), dtype=jnp.float32)
    return {"input_ids": input_ids, "attention_mask": attention_mask, "token_type_ids": token_type_ids, "word_embeddings": word_embeddings, "position_embeddings": position_embeddings, "token_type_embeddings": token_type_embeddings, "ln_gamma": ln_gamma, "ln_beta": ln_beta}

def reference(input_ids, attention_mask, token_type_ids, word_embeddings, position_embeddings, token_type_embeddings, ln_gamma, ln_beta):
    seq_len = input_ids.shape[1]
    positions = jnp.arange(seq_len)
    we = jnp.take(word_embeddings, input_ids, axis=0)
    pe = jnp.take(position_embeddings, positions, axis=0)[None, :, :]
    te = jnp.take(token_type_embeddings, token_type_ids, axis=0)
    emb = we + pe + te
    mean = jnp.mean(emb, axis=-1, keepdims=True)
    var = jnp.mean(jnp.square(emb - mean), axis=-1, keepdims=True)
    emb_output = (emb - mean) / jnp.sqrt(var + EPS) * ln_gamma + ln_beta
    am = attention_mask * 1.0
    extended_attention_mask = (1.0 - am) * -10000.0
    return (emb_output, extended_attention_mask)

if __name__ == "__main__":
    import jax
    _d = setup_inputs()
    print(jax.jit(kernel)(*tuple(_d.values())))

</pallas_src>

<mosaic_0001>
#map = affine_map<(d0, d1) -> (0, 0)>
#map1 = affine_map<(d0, d1) -> (0)>
module attributes {stable_mosaic.version = 14 : i64} {
  func.func @_sc_body(%arg0: i32, %arg1: i32, %arg2: memref<128x128xi32, #tpu.memory_space<hbm>>, %arg3: memref<16384xf32, #tpu.memory_space<hbm>>, %arg4: memref<30522x768xf32, #tpu.memory_space<hbm>>, %arg5: memref<16384x768xf32, #tpu.memory_space<hbm>>, %arg6: memref<16384xf32, #tpu.memory_space<hbm>>, %arg7: memref<32xi32, #tpu.memory_space<vmem>>, %arg8: memref<32x128xi32, #tpu.memory_space<vmem>>, %arg9: memref<16x32xi32, #tpu.memory_space<vmem>>, %arg10: memref<512xf32, #tpu.memory_space<vmem>>, %arg11: memref<512xf32, #tpu.memory_space<vmem>>, %arg12: memref<32x768xf32, #tpu.memory_space<vmem>>, %arg13: memref<32x768xf32, #tpu.memory_space<vmem>>, %arg14: memref<32x768xf32, #tpu.memory_space<vmem>>, %arg15: memref<32x768xf32, #tpu.memory_space<vmem>>, %arg16: memref<!tpu.dma_semaphore, #tpu.memory_space<semaphore_mem>>, %arg17: memref<!tpu.dma_semaphore, #tpu.memory_space<semaphore_mem>>, %arg18: memref<!tpu.dma_semaphore, #tpu.memory_space<semaphore_mem>>, %arg19: memref<!tpu.dma_semaphore, #tpu.memory_space<semaphore_mem>>, %arg20: memref<!tpu.dma_semaphore, #tpu.memory_space<semaphore_mem>>, %arg21: memref<!tpu.dma_semaphore, #tpu.memory_space<semaphore_mem>>, %arg22: memref<!tpu.dma_semaphore, #tpu.memory_space<semaphore_mem>>, %arg23: memref<!tpu.dma_semaphore, #tpu.memory_space<semaphore_mem>>, %arg24: memref<!tpu.dma_semaphore, #tpu.memory_space<semaphore_mem>>) attributes {dimension_semantics = [#tpu.dimension_semantics<core_parallel>, #tpu.dimension_semantics<subcore_parallel>], iteration_bounds = array<i64: 2, 16>, scalar_prefetch = 0 : i64, scratch_operands = 18 : i64, tpu.core_type = #tpu.core_type<sc_vector_subcore>, window_params = [{transform_indices = #map}, {transform_indices = #map1}, {transform_indices = #map}, {transform_indices = #map}, {transform_indices = #map1}]} {
    %mul3A = arith.constant 2 : i32
    %mul3A_0 = arith.muli %arg1, %mul3A : i32
    %add3A = arith.addi %mul3A_0, %arg0 : i32
    %mul3A_1 = arith.constant 16 : i32
    %mul3A_2 = arith.muli %add3A, %mul3A_1 : i32
    %iota3A = tpu.iota {dimensions = array<i32: 0>} : vector<16xi32>
    %jit3A = arith.constant 8 : i32
    %div3A = arith.divsi %add3A, %jit3A : i32
    %sign3A = arith.constant 0 : i32
    %sign3A_3 = arith.cmpi sgt, %add3A, %sign3A : i32
    %sign3A_4 = arith.extui %sign3A_3 : i1 to i32
    %sign3A_5 = arith.constant 0 : i32
    %sign3A_6 = arith.cmpi slt, %add3A, %sign3A_5 : i32
    %sign3A_7 = arith.extui %sign3A_6 : i1 to i32
    %sign3A_8 = arith.subi %sign3A_4, %sign3A_7 : i32
    %sign3A_9 = arith.constant 0 : i32
    %sign3A_10 = arith.cmpi sgt, %jit3A, %sign3A_9 : i32
    %sign3A_11 = arith.extui %sign3A_10 : i1 to i32
    %sign3A_12 = arith.constant 0 : i32
    %sign3A_13 = arith.cmpi slt, %jit3A, %sign3A_12 : i32
    %sign3A_14 = arith.extui %sign3A_13 : i1 to i32
    %sign3A_15 = arith.subi %sign3A_11, %sign3A_14 : i32
    %ne3A = arith.cmpi ne, %sign3A_8, %sign3A_15 : i32
    %rem3A = arith.remsi %add3A, %jit3A : i32
    %ne3A_16 = arith.constant 0 : i32
    %ne3A_17 = arith.cmpi ne, %rem3A, %ne3A_16 : i32
    %and3A = arith.andi %ne3A, %ne3A_17 : i1
    %sub3A = arith.constant 1 : i32
    %sub3A_18 = arith.subi %div3A, %sub3A : i32
    %select_n3A = arith.select %and3A, %sub3A_18, %div3A : i32
    %jit3A_19 = arith.constant 8 : i32
    %eq3A = arith.constant 0 : i32
    %eq3A_20 = arith.cmpi eq, %jit3A_19, %eq3A : i32
    %jit3A_21 = arith.constant 1 : i32
    %select_n3A_22 = arith.select %eq3A_20, %jit3A_21, %jit3A_19 : i32
    %rem3A_23 = arith.remsi %add3A, %select_n3A_22 : i32
    %ne3A_24 = arith.constant 0 : i32
    %ne3A_25 = arith.cmpi ne, %rem3A_23, %ne3A_24 : i32
    %lt3A = arith.constant 0 : i32
    %lt3A_26 = arith.cmpi slt, %rem3A_23, %lt3A : i32
    %lt3A_27 = arith.constant 0 : i32
    %lt3A_28 = arith.cmpi slt, %select_n3A_22, %lt3A_27 : i32
    %ne3A_29 = arith.xori %lt3A_26, %lt3A_28 : i1
    %and3A_30 = arith.andi %ne3A_29, %ne3A_25 : i1
    %add3A_31 = arith.addi %rem3A_23, %select_n3A_22 : i32
    %select_n3A_32 = arith.select %and3A_30, %add3A_31, %rem3A_23 : i32
    %mul3A_33 = arith.constant 16 : i32
    %mul3A_34 = arith.muli %select_n3A_32, %mul3A_33 : i32
    %mul3A_35 = arith.constant 4 : i32
    %mul3A_36 = vector.broadcast %mul3A_35 : i32 to vector<16xi32>
    %mul3A_37 = arith.muli %iota3A, %mul3A_36 : vector<16xi32>
    %add3A_38 = vector.broadcast %select_n3A : i32 to vector<16xi32>
    %add3A_39 = arith.addi %mul3A_37, %add3A_38 : vector<16xi32>
    %swap3A = arith.constant 0 : index
    %swap3A_40 = tpu.vector_load %arg7[%swap3A] {strides = array<i32>} : memref<32xi32, #tpu.memory_space<vmem>>, vector<16xi32>,
    %swap3A_41 = vector.shape_cast %swap3A_40 : vector<16xi32> to vector<16xi32>
    %swap3A_42 = vector.shape_cast %add3A_39 : vector<16xi32> to vector<16xi32>
    tpu.vector_store %arg7[%swap3A], %swap3A_42 {strides = array<i32>} : memref<32xi32, #tpu.memory_space<vmem>>, vector<16xi32>,
    %add3A_43 = arith.constant 16 : i32
    %add3A_44 = vector.broadcast %add3A_43 : i32 to vector<16xi32>
    %add3A_45 = arith.addi %iota3A, %add3A_44 : vector<16xi32>
    %mul3A_46 = arith.constant 4 : i32
    %mul3A_47 = vector.broadcast %mul3A_46 : i32 to vector<16xi32>
    %mul3A_48 = arith.muli %add3A_45, %mul3A_47 : vector<16xi32>
    %add3A_49 = vector.broadcast %select_n3A : i32 to vector<16xi32>
    %add3A_50 = arith.addi %mul3A_48, %add3A_49 : vector<16xi32>
    %swap3A_51 = arith.constant 16 : index
    %swap3A_52 = tpu.vector_load %arg7[%swap3A_51] {strides = array<i32>} : memref<32xi32, #tpu.memory_space<vmem>>, vector<16xi32>,
    %swap3A_53 = vector.shape_cast %swap3A_52 : vector<16xi32> to vector<16xi32>
    %swap3A_54 = vector.shape_cast %add3A_50 : vector<16xi32> to vector<16xi32>
    tpu.vector_store %arg7[%swap3A_51], %swap3A_54 {strides = array<i32>} : memref<32xi32, #tpu.memory_space<vmem>>, vector<16xi32>,
    %dma_start3A = arith.constant 0 : i32
    %dma_start3A_55 = arith.constant 0 : i32
    %dma_start3A_56 = tpu.memref_slice %arg2[%dma_start3A, %dma_start3A_55] : memref<128x128xi32, #tpu.memory_space<hbm>> -> memref<128x128xi32, #tpu.memory_space<hbm>>
    tpu.enqueue_indirect_dma source(%dma_start3A_56 : memref<128x128xi32, #tpu.memory_space<hbm>>) target(%arg8 : memref<32x128xi32, #tpu.memory_space<vmem>>) offsets(%arg7 : memref<32xi32, #tpu.memory_space<vmem>>) semaphore(%arg24 : memref<!tpu.dma_semaphore, #tpu.memory_space<semaphore_mem>>)
    %dma_wait3A = arith.constant 0 : i32
    %dma_wait3A_57 = arith.constant 0 : i32
    %dma_wait3A_58 = tpu.memref_slice %arg2[%dma_wait3A, %dma_wait3A_57] : memref<128x128xi32, #tpu.memory_space<hbm>> -> memref<128x128xi32, #tpu.memory_space<hbm>>
    tpu.wait_indirect_dma semaphore(%arg24 : memref<!tpu.dma_semaphore, #tpu.memory_space<semaphore_mem>>) src(%dma_wait3A_58 : memref<128x128xi32, #tpu.memory_space<hbm>>) dst(%arg8 : memref<32x128xi32, #tpu.memory_space<vmem>>)
    %mul3A_59 = arith.constant 512 : i32
    %mul3A_60 = arith.muli %add3A, %mul3A_59 : i32
    "tpu.region"() ({
      %run_scoped3A = tpu.sem_alloc : memref<!tpu.dma_semaphore, #tpu.memory_space<semaphore_mem>>
      %dma_start3A_106 = tpu.memref_slice %arg3[%mul3A_60] : memref<16384xf32, #tpu.memory_space<hbm>> -> memref<512xf32, #tpu.memory_space<hbm>>
      %dma_start3A_107 = tpu.memref_slice %arg3[%mul3A_60] : memref<16384xf32, #tpu.memory_space<hbm>> -> memref<512xf32, #tpu.memory_space<hbm>>
      tpu.enqueue_dma source(%dma_start3A_107 : memref<512xf32, #tpu.memory_space<hbm>>) target(%arg10 : memref<512xf32, #tpu.memory_space<vmem>>) target_semaphore(%run_scoped3A : memref<!tpu.dma_semaphore, #tpu.memory_space<semaphore_mem>>)
      %dma_wait3A_108 = tpu.memref_slice %arg3[%mul3A_60] : memref<16384xf32, #tpu.memory_space<hbm>> -> memref<512xf32, #tpu.memory_space<hbm>>
      %dma_wait3A_109 = tpu.memref_slice %arg3[%mul3A_60] : memref<16384xf32, #tpu.memory_space<hbm>> -> memref<512xf32, #tpu.memory_space<hbm>>
      tpu.wait_dma2 semaphore(%run_scoped3A : memref<!tpu.dma_semaphore, #tpu.memory_space<semaphore_mem>>) src(%dma_wait3A_109 : memref<512xf32, #tpu.memory_space<hbm>>) dst(%arg10 : memref<512xf32, #tpu.memory_space<vmem>>)
      tpu.yield
    }) : () -> ()
    %scan3A = arith.constant 0 : i32
    %scan3A_61 = arith.constant 0 : i32
    %scan3A_62 = arith.constant 32 : i32
    %scan3A_63 = arith.addi %scan3A_61, %scan3A_62 : i32
    %scan3A_64 = arith.constant 1 : i32
    scf.for %scan3A_106 = %scan3A_61 to %scan3A_63 step %scan3A_64  : i32 {
      %get3A = arith.index_cast %scan3A_106 : i32 to index
      %get3A_107 = arith.index_cast %mul3A_34 : i32 to index
      %get3A_108 = tpu.vector_load %arg8[%get3A, %get3A_107] {strides = array<i32>} : memref<32x128xi32, #tpu.memory_space<vmem>>, vector<1x16xi32>,
      %get3A_109 = vector.shape_cast %get3A_108 : vector<1x16xi32> to vector<16xi32>
      %jit3A_110 = arith.constant 2 : i32
      %div3A_111 = arith.divsi %scan3A_106, %jit3A_110 : i32
      %sign3A_112 = arith.constant 0 : i32
      %sign3A_113 = arith.cmpi sgt, %scan3A_106, %sign3A_112 : i32
      %sign3A_114 = arith.extui %sign3A_113 : i1 to i32
      %sign3A_115 = arith.constant 0 : i32
      %sign3A_116 = arith.cmpi slt, %scan3A_106, %sign3A_115 : i32
      %sign3A_117 = arith.extui %sign3A_116 : i1 to i32
      %sign3A_118 = arith.subi %sign3A_114, %sign3A_117 : i32
      %sign3A_119 = arith.constant 0 : i32
      %sign3A_120 = arith.cmpi sgt, %jit3A_110, %sign3A_119 : i32
      %sign3A_121 = arith.extui %sign3A_120 : i1 to i32
      %sign3A_122 = arith.constant 0 : i32
      %sign3A_123 = arith.cmpi slt, %jit3A_110, %sign3A_122 : i32
      %sign3A_124 = arith.extui %sign3A_123 : i1 to i32
      %sign3A_125 = arith.subi %sign3A_121, %sign3A_124 : i32
      %ne3A_126 = arith.cmpi ne, %sign3A_118, %sign3A_125 : i32
      %rem3A_127 = arith.remsi %scan3A_106, %jit3A_110 : i32
      %ne3A_128 = arith.constant 0 : i32
      %ne3A_129 = arith.cmpi ne, %rem3A_127, %ne3A_128 : i32
      %and3A_130 = arith.andi %ne3A_126, %ne3A_129 : i1
      %sub3A_131 = arith.constant 1 : i32
      %sub3A_132 = arith.subi %div3A_111, %sub3A_131 : i32
      %select_n3A_133 = arith.select %and3A_130, %sub3A_132, %div3A_111 : i32
      %jit3A_134 = arith.constant 2 : i32
      %eq3A_135 = arith.constant 0 : i32
      %eq3A_136 = arith.cmpi eq, %jit3A_134, %eq3A_135 : i32
      %jit3A_137 = arith.constant 1 : i32
      %select_n3A_138 = arith.select %eq3A_136, %jit3A_137, %jit3A_134 : i32
      %rem3A_139 = arith.remsi %scan3A_106, %select_n3A_138 : i32
      %ne3A_140 = arith.constant 0 : i32
      %ne3A_141 = arith.cmpi ne, %rem3A_139, %ne3A_140 : i32
      %lt3A_142 = arith.constant 0 : i32
      %lt3A_143 = arith.cmpi slt, %rem3A_139, %lt3A_142 : i32
      %lt3A_144 = arith.constant 0 : i32
      %lt3A_145 = arith.cmpi slt, %select_n3A_138, %lt3A_144 : i32
      %ne3A_146 = arith.xori %lt3A_143, %lt3A_145 : i1
      %and3A_147 = arith.andi %ne3A_146, %ne3A_141 : i1
      %add3A_148 = arith.addi %rem3A_139, %select_n3A_138 : i32
      %select_n3A_149 = arith.select %and3A_147, %add3A_148, %rem3A_139 : i32
      %mul3A_150 = arith.constant 16 : i32
      %mul3A_151 = arith.muli %select_n3A_149, %mul3A_150 : i32
      %swap3A_152 = arith.index_cast %select_n3A_133 : i32 to index
      %swap3A_153 = arith.index_cast %mul3A_151 : i32 to index
      %swap3A_154 = tpu.vector_load %arg9[%swap3A_152, %swap3A_153] {strides = array<i32>} : memref<16x32xi32, #tpu.memory_space<vmem>>, vector<1x16xi32>,
      %swap3A_155 = vector.shape_cast %swap3A_154 : vector<1x16xi32> to vector<16xi32>
      %swap3A_156 = vector.shape_cast %get3A_109 : vector<16xi32> to vector<1x16xi32>
      tpu.vector_store %arg9[%swap3A_152, %swap3A_153], %swap3A_156 {strides = array<i32>} : memref<16x32xi32, #tpu.memory_space<vmem>>, vector<1x16xi32>,
    }
    %scan3A_65 = arith.constant 32 : i32
    %scan3A_66 = arith.constant 0 : i32
    %scan3A_67 = arith.constant 0 : i32
    %scan3A_68 = arith.constant 32 : i32
    %scan3A_69 = arith.addi %scan3A_67, %scan3A_68 : i32
    %scan3A_70 = arith.constant 1 : i32
    scf.for %scan3A_106 = %scan3A_67 to %scan3A_69 step %scan3A_70  : i32 {
      %mul3A_107 = arith.constant 16 : i32
      %mul3A_108 = arith.muli %scan3A_106, %mul3A_107 : i32
      %get3A = arith.index_cast %mul3A_108 : i32 to index
      %get3A_109 = tpu.vector_load %arg10[%get3A] {strides = array<i32>} : memref<512xf32, #tpu.memory_space<vmem>>, vector<16xf32>,
      %get3A_110 = vector.shape_cast %get3A_109 : vector<16xf32> to vector<16xf32>
      %sub3A_111 = arith.constant 1.000000e+00 : f32
      %sub3A_112 = vector.broadcast %sub3A_111 : f32 to vector<16xf32>
      %sub3A_113 = arith.subf %sub3A_112, %get3A_110 : vector<16xf32>
      %mul3A_114 = arith.constant -1.000000e+04 : f32
      %mul3A_115 = vector.broadcast %mul3A_114 : f32 to vector<16xf32>
      %mul3A_116 = arith.mulf %sub3A_113, %mul3A_115 : vector<16xf32>
      %mul3A_117 = arith.constant 16 : i32
      %mul3A_118 = arith.muli %scan3A_106, %mul3A_117 : i32
      %swap3A_119 = arith.index_cast %mul3A_118 : i32 to index
      %swap3A_120 = tpu.vector_load %arg11[%swap3A_119] {strides = array<i32>} : memref<512xf32, #tpu.memory_space<vmem>>, vector<16xf32>,
      %swap3A_121 = vector.shape_cast %swap3A_120 : vector<16xf32> to vector<16xf32>
      %swap3A_122 = vector.shape_cast %mul3A_116 : vector<16xf32> to vector<16xf32>
      tpu.vector_store %arg11[%swap3A_119], %swap3A_122 {strides = array<i32>} : memref<512xf32, #tpu.memory_space<vmem>>, vector<16xf32>,
    }
    %scan3A_71 = arith.constant 32 : i32
    %dma_start3A_72 = arith.constant 0 : i32
    %dma_start3A_73 = arith.constant 0 : i32
    %dma_start3A_74 = tpu.memref_slice %arg9[%dma_start3A_72, %dma_start3A_73] : memref<16x32xi32, #tpu.memory_space<vmem>> -> memref<1x32xi32, #tpu.memory_space<vmem>>
    %dma_start3A_75 = tpu.memref_squeeze %dma_start3A_74 : memref<1x32xi32, #tpu.memory_space<vmem>> -> memref<32xi32, #tpu.memory_space<vmem>>
    %dma_start3A_76 = arith.constant 0 : i32
    %dma_start3A_77 = arith.constant 0 : i32
    %dma_start3A_78 = tpu.memref_slice %arg4[%dma_start3A_76, %dma_start3A_77] : memref<30522x768xf32, #tpu.memory_space<hbm>> -> memref<30522x768xf32, #tpu.memory_space<hbm>>
    tpu.enqueue_indirect_dma source(%dma_start3A_78 : memref<30522x768xf32, #tpu.memory_space<hbm>>) target(%arg12 : memref<32x768xf32, #tpu.memory_space<vmem>>) offsets(%dma_start3A_75 : memref<32xi32, #tpu.memory_space<vmem>>) semaphore(%arg16 : memref<!tpu.dma_semaphore, #tpu.memory_space<semaphore_mem>>)
    %dma_start3A_79 = arith.constant 1 : i32
    %dma_start3A_80 = arith.constant 0 : i32
    %dma_start3A_81 = tpu.memref_slice %arg9[%dma_start3A_79, %dma_start3A_80] : memref<16x32xi32, #tpu.memory_space<vmem>> -> memref<1x32xi32, #tpu.memory_space<vmem>>
    %dma_start3A_82 = tpu.memref_squeeze %dma_start3A_81 : memref<1x32xi32, #tpu.memory_space<vmem>> -> memref<32xi32, #tpu.memory_space<vmem>>
    %dma_start3A_83 = arith.constant 0 : i32
    %dma_start3A_84 = arith.constant 0 : i32
    %dma_start3A_85 = tpu.memref_slice %arg4[%dma_start3A_83, %dma_start3A_84] : memref<30522x768xf32, #tpu.memory_space<hbm>> -> memref<30522x768xf32, #tpu.memory_space<hbm>>
    tpu.enqueue_indirect_dma source(%dma_start3A_85 : memref<30522x768xf32, #tpu.memory_space<hbm>>) target(%arg13 : memref<32x768xf32, #tpu.memory_space<vmem>>) offsets(%dma_start3A_82 : memref<32xi32, #tpu.memory_space<vmem>>) semaphore(%arg17 : memref<!tpu.dma_semaphore, #tpu.memory_space<semaphore_mem>>)
    %scan3A_86 = arith.constant 0 : i32
    %scan3A_87 = arith.constant 0 : i32
    %scan3A_88 = arith.constant 4 : i32
    %scan3A_89 = arith.addi %scan3A_87, %scan3A_88 : i32
    %scan3A_90 = arith.constant 1 : i32
    scf.for %scan3A_106 = %scan3A_87 to %scan3A_89 step %scan3A_90  : i32 {
      %mul3A_107 = arith.constant 4 : i32
      %mul3A_108 = arith.muli %scan3A_106, %mul3A_107 : i32
      %add3A_109 = arith.constant 0 : i32
      %add3A_110 = arith.addi %mul3A_108, %add3A_109 : i32
      %ge3A = arith.constant 2 : i32
      %ge3A_111 = arith.cmpi sge, %add3A_110, %ge3A : i32
      %convert_element_type3A = arith.extui %ge3A_111 : i1 to i32
      %cond3A = arith.constant 0 : i32
      %cond3A_112 = arith.cmpi ne, %convert_element_type3A, %cond3A : i32
      scf.if %cond3A_112 {
        %dma_wait3A_320 = arith.constant 0 : i32
        %dma_wait3A_321 = arith.constant 0 : i32
        %dma_wait3A_322 = tpu.memref_slice %arg4[%dma_wait3A_320, %dma_wait3A_321] : memref<30522x768xf32, #tpu.memory_space<hbm>> -> memref<32x768xf32, #tpu.memory_space<hbm>>
        %dma_wait3A_323 = arith.constant 0 : i32
        %dma_wait3A_324 = arith.constant 0 : i32
        %dma_wait3A_325 = tpu.memref_slice %arg4[%dma_wait3A_323, %dma_wait3A_324] : memref<30522x768xf32, #tpu.memory_space<hbm>> -> memref<32x768xf32, #tpu.memory_space<hbm>>
        tpu.wait_dma2 semaphore(%arg22 : memref<!tpu.dma_semaphore, #tpu.memory_space<semaphore_mem>>) src(%dma_wait3A_325 : memref<32x768xf32, #tpu.memory_space<hbm>>) dst(%arg14 : memref<32x768xf32, #tpu.memory_space<vmem>>)
      } else {
      }
      %add3A_113 = arith.constant 2 : i32
      %add3A_114 = arith.addi %add3A_110, %add3A_113 : i32
      %lt3A_115 = arith.constant 16 : i32
      %lt3A_116 = arith.cmpi slt, %add3A_114, %lt3A_115 : i32
      %convert_element_type3A_117 = arith.extui %lt3A_116 : i1 to i32
      %cond3A_118 = arith.constant 0 : i32
      %cond3A_119 = arith.cmpi ne, %convert_element_type3A_117, %cond3A_118 : i32
      scf.if %cond3A_119 {
        %add3A_320 = arith.constant 2 : i32
        %add3A_321 = arith.addi %add3A_110, %add3A_320 : i32
        %dma_start3A_322 = arith.constant 0 : i32
        %dma_start3A_323 = tpu.memref_slice %arg9[%add3A_321, %dma_start3A_322] : memref<16x32xi32, #tpu.memory_space<vmem>> -> memref<1x32xi32, #tpu.memory_space<vmem>>
        %dma_start3A_324 = tpu.memref_squeeze %dma_start3A_323 : memref<1x32xi32, #tpu.memory_space<vmem>> -> memref<32xi32, #tpu.memory_space<vmem>>
        %dma_start3A_325 = arith.constant 0 : i32
        %dma_start3A_326 = arith.constant 0 : i32
        %dma_start3A_327 = tpu.memref_slice %arg4[%dma_start3A_325, %dma_start3A_326] : memref<30522x768xf32, #tpu.memory_space<hbm>> -> memref<30522x768xf32, #tpu.memory_space<hbm>>
        tpu.enqueue_indirect_dma source(%dma_start3A_327 : memref<30522x768xf32, #tpu.memory_space<hbm>>) target(%arg14 : memref<32x768xf32, #tpu.memory_space<vmem>>) offsets(%dma_start3A_324 : memref<32xi32, #tpu.memory_space<vmem>>) semaphore(%arg18 : memref<!tpu.dma_semaphore, #tpu.memory_space<semaphore_mem>>)
      } else {
      }
      %dma_wait3A_120 = arith.constant 0 : i32
      %dma_wait3A_121 = arith.constant 0 : i32
      %dma_wait3A_122 = tpu.memref_slice %arg4[%dma_wait3A_120, %dma_wait3A_121] : memref<30522x768xf32, #tpu.memory_space<hbm>> -> memref<32x768xf32, #tpu.memory_space<hbm>>
      %dma_wait3A_123 = arith.constant 0 : i32
      %dma_wait3A_124 = arith.constant 0 : i32
      %dma_wait3A_125 = tpu.memref_slice %arg4[%dma_wait3A_123, %dma_wait3A_124] : memref<30522x768xf32, #tpu.memory_space<hbm>> -> memref<32x768xf32, #tpu.memory_space<hbm>>
      tpu.wait_dma2 semaphore(%arg16 : memref<!tpu.dma_semaphore, #tpu.memory_space<semaphore_mem>>) src(%dma_wait3A_125 : memref<32x768xf32, #tpu.memory_space<hbm>>) dst(%arg12 : memref<32x768xf32, #tpu.memory_space<vmem>>)
      %mul3A_126 = arith.constant 2 : i32
      %mul3A_127 = arith.muli %mul3A_126, %add3A_110 : i32
      %mul3A_128 = arith.constant 512 : i32
      %mul3A_129 = arith.muli %mul3A_127, %mul3A_128 : i32
      %add3A_130 = arith.addi %mul3A_129, %mul3A_2 : i32
      %mul3A_131 = arith.constant 2 : i32
      %mul3A_132 = arith.muli %mul3A_131, %add3A_110 : i32
      %add3A_133 = arith.constant 1 : i32
      %add3A_134 = arith.addi %mul3A_132, %add3A_133 : i32
      %mul3A_135 = arith.constant 512 : i32
      %mul3A_136 = arith.muli %add3A_134, %mul3A_135 : i32
      %add3A_137 = arith.addi %mul3A_136, %mul3A_2 : i32
      %dma_start3A_138 = arith.constant 0 : i32
      %dma_start3A_139 = arith.constant 0 : i32
      %dma_start3A_140 = tpu.memref_slice %arg12[%dma_start3A_138, %dma_start3A_139] : memref<32x768xf32, #tpu.memory_space<vmem>> -> memref<16x768xf32, #tpu.memory_space<vmem>>
      %dma_start3A_141 = arith.constant 0 : i32
      %dma_start3A_142 = tpu.memref_slice %arg5[%add3A_130, %dma_start3A_141] : memref<16384x768xf32, #tpu.memory_space<hbm>> -> memref<16x768xf32, #tpu.memory_space<hbm>>
      %dma_start3A_143 = arith.constant 0 : i32
      %dma_start3A_144 = tpu.memref_slice %arg5[%add3A_130, %dma_start3A_143] : memref<16384x768xf32, #tpu.memory_space<hbm>> -> memref<16x768xf32, #tpu.memory_space<hbm>>
      %dma_start3A_145 = arith.constant 0 : i32
      %dma_start3A_146 = arith.constant 0 : i32
      %dma_start3A_147 = tpu.memref_slice %arg12[%dma_start3A_145, %dma_start3A_146] : memref<32x768xf32, #tpu.memory_space<vmem>> -> memref<16x768xf32, #tpu.memory_space<vmem>>
      tpu.enqueue_dma source(%dma_start3A_147 : memref<16x768xf32, #tpu.memory_space<vmem>>) target(%dma_start3A_144 : memref<16x768xf32, #tpu.memory_space<hbm>>) target_semaphore(%arg20 : memref<!tpu.dma_semaphore, #tpu.memory_space<semaphore_mem>>)
      %dma_start3A_148 = arith.constant 16 : i32
      %dma_start3A_149 = arith.constant 0 : i32
      %dma_start3A_150 = tpu.memref_slice %arg12[%dma_start3A_148, %dma_start3A_149] : memref<32x768xf32, #tpu.memory_space<vmem>> -> memref<16x768xf32, #tpu.memory_space<vmem>>
      %dma_start3A_151 = arith.constant 0 : i32
      %dma_start3A_152 = tpu.memref_slice %arg5[%add3A_137, %dma_start3A_151] : memref<16384x768xf32, #tpu.memory_space<hbm>> -> memref<16x768xf32, #tpu.memory_space<hbm>>
      %dma_start3A_153 = arith.constant 0 : i32
      %dma_start3A_154 = tpu.memref_slice %arg5[%add3A_137, %dma_start3A_153] : memref<16384x768xf32, #tpu.memory_space<hbm>> -> memref<16x768xf32, #tpu.memory_space<hbm>>
      %dma_start3A_155 = arith.constant 16 : i32
      %dma_start3A_156 = arith.constant 0 : i32
      %dma_start3A_157 = tpu.memref_slice %arg12[%dma_start3A_155, %dma_start3A_156] : memref<32x768xf32, #tpu.memory_space<vmem>> -> memref<16x768xf32, #tpu.memory_space<vmem>>
      tpu.enqueue_dma source(%dma_start3A_157 : memref<16x768xf32, #tpu.memory_space<vmem>>) target(%dma_start3A_154 : memref<16x768xf32, #tpu.memory_space<hbm>>) target_semaphore(%arg20 : memref<!tpu.dma_semaphore, #tpu.memory_space<semaphore_mem>>)
      %mul3A_158 = arith.constant 4 : i32
      %mul3A_159 = arith.muli %scan3A_106, %mul3A_158 : i32
      %add3A_160 = arith.constant 1 : i32
      %add3A_161 = arith.addi %mul3A_159, %add3A_160 : i32
      %ge3A_162 = arith.constant 2 : i32
      %ge3A_163 = arith.cmpi sge, %add3A_161, %ge3A_162 : i32
      %convert_element_type3A_164 = arith.extui %ge3A_163 : i1 to i32
      %cond3A_165 = arith.constant 0 : i32
      %cond3A_166 = arith.cmpi ne, %convert_element_type3A_164, %cond3A_165 : i32
      scf.if %cond3A_166 {
        %dma_wait3A_320 = arith.constant 0 : i32
        %dma_wait3A_321 = arith.constant 0 : i32
        %dma_wait3A_322 = tpu.memref_slice %arg4[%dma_wait3A_320, %dma_wait3A_321] : memref<30522x768xf32, #tpu.memory_space<hbm>> -> memref<32x768xf32, #tpu.memory_space<hbm>>
        %dma_wait3A_323 = arith.constant 0 : i32
        %dma_wait3A_324 = arith.constant 0 : i32
        %dma_wait3A_325 = tpu.memref_slice %arg4[%dma_wait3A_323, %dma_wait3A_324] : memref<30522x768xf32, #tpu.memory_space<hbm>> -> memref<32x768xf32, #tpu.memory_space<hbm>>
        tpu.wait_dma2 semaphore(%arg23 : memref<!tpu.dma_semaphore, #tpu.memory_space<semaphore_mem>>) src(%dma_wait3A_325 : memref<32x768xf32, #tpu.memory_space<hbm>>) dst(%arg15 : memref<32x768xf32, #tpu.memory_space<vmem>>)
      } else {
      }
      %add3A_167 = arith.constant 2 : i32
      %add3A_168 = arith.addi %add3A_161, %add3A_167 : i32
      %lt3A_169 = arith.constant 16 : i32
      %lt3A_170 = arith.cmpi slt, %add3A_168, %lt3A_169 : i32
      %convert_element_type3A_171 = arith.extui %lt3A_170 : i1 to i32
      %cond3A_172 = arith.constant 0 : i32
      %cond3A_173 = arith.cmpi ne, %convert_element_type3A_171, %cond3A_172 : i32
      scf.if %cond3A_173 {
        %add3A_320 = arith.constant 2 : i32
        %add3A_321 = arith.addi %add3A_161, %add3A_320 : i32
        %dma_start3A_322 = arith.constant 0 : i32
        %dma_start3A_323 = tpu.memref_slice %arg9[%add3A_321, %dma_start3A_322] : memref<16x32xi32, #tpu.memory_space<vmem>> -> memref<1x32xi32, #tpu.memory_space<vmem>>
        %dma_start3A_324 = tpu.memref_squeeze %dma_start3A_323 : memref<1x32xi32, #tpu.memory_space<vmem>> -> memref<32xi32, #tpu.memory_space<vmem>>
        %dma_start3A_325 = arith.constant 0 : i32
        %dma_start3A_326 = arith.constant 0 : i32
        %dma_start3A_327 = tpu.memref_slice %arg4[%dma_start3A_325, %dma_start3A_326] : memref<30522x768xf32, #tpu.memory_space<hbm>> -> memref<30522x768xf32, #tpu.memory_space<hbm>>
        tpu.enqueue_indirect_dma source(%dma_start3A_327 : memref<30522x768xf32, #tpu.memory_space<hbm>>) target(%arg15 : memref<32x768xf32, #tpu.memory_space<vmem>>) offsets(%dma_start3A_324 : memref<32xi32, #tpu.memory_space<vmem>>) semaphore(%arg19 : memref<!tpu.dma_semaphore, #tpu.memory_space<semaphore_mem>>)
      } else {
      }
      %dma_wait3A_174 = arith.constant 0 : i32
      %dma_wait3A_175 = arith.constant 0 : i32
      %dma_wait3A_176 = tpu.memref_slice %arg4[%dma_wait3A_174, %dma_wait3A_175] : memref<30522x768xf32, #tpu.memory_space<hbm>> -> memref<32x768xf32, #tpu.memory_space<hbm>>
      %dma_wait3A_177 = arith.constant 0 : i32
      %dma_wait3A_178 = arith.constant 0 : i32
      %dma_wait3A_179 = tpu.memref_slice %arg4[%dma_wait3A_177, %dma_wait3A_178] : memref<30522x768xf32, #tpu.memory_space<hbm>> -> memref<32x768xf32, #tpu.memory_space<hbm>>
      tpu.wait_dma2 semaphore(%arg17 : memref<!tpu.dma_semaphore, #tpu.memory_space<semaphore_mem>>) src(%dma_wait3A_179 : memref<32x768xf32, #tpu.memory_space<hbm>>) dst(%arg13 : memref<32x768xf32, #tpu.memory_space<vmem>>)
      %mul3A_180 = arith.constant 2 : i32
      %mul3A_181 = arith.muli %mul3A_180, %add3A_161 : i32
      %mul3A_182 = arith.constant 512 : i32
      %mul3A_183 = arith.muli %mul3A_181, %mul3A_182 : i32
      %add3A_184 = arith.addi %mul3A_183, %mul3A_2 : i32
      %mul3A_185 = arith.constant 2 : i32
      %mul3A_186 = arith.muli %mul3A_185, %add3A_161 : i32
      %add3A_187 = arith.constant 1 : i32
      %add3A_188 = arith.addi %mul3A_186, %add3A_187 : i32
      %mul3A_189 = arith.constant 512 : i32
      %mul3A_190 = arith.muli %add3A_188, %mul3A_189 : i32
      %add3A_191 = arith.addi %mul3A_190, %mul3A_2 : i32
      %dma_start3A_192 = arith.constant 0 : i32
      %dma_start3A_193 = arith.constant 0 : i32
      %dma_start3A_194 = tpu.memref_slice %arg13[%dma_start3A_192, %dma_start3A_193] : memref<32x768xf32, #tpu.memory_space<vmem>> -> memref<16x768xf32, #tpu.memory_space<vmem>>
      %dma_start3A_195 = arith.constant 0 : i32
      %dma_start3A_196 = tpu.memref_slice %arg5[%add3A_184, %dma_start3A_195] : memref<16384x768xf32, #tpu.memory_space<hbm>> -> memref<16x768xf32, #tpu.memory_space<hbm>>
      %dma_start3A_197 = arith.constant 0 : i32
      %dma_start3A_198 = tpu.memref_slice %arg5[%add3A_184, %dma_start3A_197] : memref<16384x768xf32, #tpu.memory_space<hbm>> -> memref<16x768xf32, #tpu.memory_space<hbm>>
      %dma_start3A_199 = arith.constant 0 : i32
      %dma_start3A_200 = arith.constant 0 : i32
      %dma_start3A_201 = tpu.memref_slice %arg13[%dma_start3A_199, %dma_start3A_200] : memref<32x768xf32, #tpu.memory_space<vmem>> -> memref<16x768xf32, #tpu.memory_space<vmem>>
      tpu.enqueue_dma source(%dma_start3A_201 : memref<16x768xf32, #tpu.memory_space<vmem>>) target(%dma_start3A_198 : memref<16x768xf32, #tpu.memory_space<hbm>>) target_semaphore(%arg21 : memref<!tpu.dma_semaphore, #tpu.memory_space<semaphore_mem>>)
      %dma_start3A_202 = arith.constant 16 : i32
      %dma_start3A_203 = arith.constant 0 : i32
      %dma_start3A_204 = tpu.memref_slice %arg13[%dma_start3A_202, %dma_start3A_203] : memref<32x768xf32, #tpu.memory_space<vmem>> -> memref<16x768xf32, #tpu.memory_space<vmem>>
      %dma_start3A_205 = arith.constant 0 : i32
      %dma_start3A_206 = tpu.memref_slice %arg5[%add3A_191, %dma_start3A_205] : memref<16384x768xf32, #tpu.memory_space<hbm>> -> memref<16x768xf32, #tpu.memory_space<hbm>>
      %dma_start3A_207 = arith.constant 0 : i32
      %dma_start3A_208 = tpu.memref_slice %arg5[%add3A_191, %dma_start3A_207] : memref<16384x768xf32, #tpu.memory_space<hbm>> -> memref<16x768xf32, #tpu.memory_space<hbm>>
      %dma_start3A_209 = arith.constant 16 : i32
      %dma_start3A_210 = arith.constant 0 : i32
      %dma_start3A_211 = tpu.memref_slice %arg13[%dma_start3A_209, %dma_start3A_210] : memref<32x768xf32, #tpu.memory_space<vmem>> -> memref<16x768xf32, #tpu.memory_space<vmem>>
      tpu.enqueue_dma source(%dma_start3A_211 : memref<16x768xf32, #tpu.memory_space<vmem>>) target(%dma_start3A_208 : memref<16x768xf32, #tpu.memory_space<hbm>>) target_semaphore(%arg21 : memref<!tpu.dma_semaphore, #tpu.memory_space<semaphore_mem>>)
      %mul3A_212 = arith.constant 4 : i32
      %mul3A_213 = arith.muli %scan3A_106, %mul3A_212 : i32
      %add3A_214 = arith.constant 2 : i32
      %add3A_215 = arith.addi %mul3A_213, %add3A_214 : i32
      %ge3A_216 = arith.constant 2 : i32
      %ge3A_217 = arith.cmpi sge, %add3A_215, %ge3A_216 : i32
      %convert_element_type3A_218 = arith.extui %ge3A_217 : i1 to i32
      %cond3A_219 = arith.constant 0 : i32
      %cond3A_220 = arith.cmpi ne, %convert_element_type3A_218, %cond3A_219 : i32
      scf.if %cond3A_220 {
        %dma_wait3A_320 = arith.constant 0 : i32
        %dma_wait3A_321 = arith.constant 0 : i32
        %dma_wait3A_322 = tpu.memref_slice %arg4[%dma_wait3A_320, %dma_wait3A_321] : memref<30522x768xf32, #tpu.memory_space<hbm>> -> memref<32x768xf32, #tpu.memory_space<hbm>>
        %dma_wait3A_323 = arith.constant 0 : i32
        %dma_wait3A_324 = arith.constant 0 : i32
        %dma_wait3A_325 = tpu.memref_slice %arg4[%dma_wait3A_323, %dma_wait3A_324] : memref<30522x768xf32, #tpu.memory_space<hbm>> -> memref<32x768xf32, #tpu.memory_space<hbm>>
        tpu.wait_dma2 semaphore(%arg20 : memref<!tpu.dma_semaphore, #tpu.memory_space<semaphore_mem>>) src(%dma_wait3A_325 : memref<32x768xf32, #tpu.memory_space<hbm>>) dst(%arg12 : memref<32x768xf32, #tpu.memory_space<vmem>>)
      } else {
      }
      %add3A_221 = arith.constant 2 : i32
      %add3A_222 = arith.addi %add3A_215, %add3A_221 : i32
      %lt3A_223 = arith.constant 16 : i32
      %lt3A_224 = arith.cmpi slt, %add3A_222, %lt3A_223 : i32
      %convert_element_type3A_225 = arith.extui %lt3A_224 : i1 to i32
      %cond3A_226 = arith.constant 0 : i32
      %cond3A_227 = arith.cmpi ne, %convert_element_type3A_225, %cond3A_226 : i32
      scf.if %cond3A_227 {
        %add3A_320 = arith.constant 2 : i32
        %add3A_321 = arith.addi %add3A_215, %add3A_320 : i32
        %dma_start3A_322 = arith.constant 0 : i32
        %dma_start3A_323 = tpu.memref_slice %arg9[%add3A_321, %dma_start3A_322] : memref<16x32xi32, #tpu.memory_space<vmem>> -> memref<1x32xi32, #tpu.memory_space<vmem>>
        %dma_start3A_324 = tpu.memref_squeeze %dma_start3A_323 : memref<1x32xi32, #tpu.memory_space<vmem>> -> memref<32xi32, #tpu.memory_space<vmem>>
        %dma_start3A_325 = arith.constant 0 : i32
        %dma_start3A_326 = arith.constant 0 : i32
        %dma_start3A_327 = tpu.memref_slice %arg4[%dma_start3A_325, %dma_start3A_326] : memref<30522x768xf32, #tpu.memory_space<hbm>> -> memref<30522x768xf32, #tpu.memory_space<hbm>>
        tpu.enqueue_indirect_dma source(%dma_start3A_327 : memref<30522x768xf32, #tpu.memory_space<hbm>>) target(%arg12 : memref<32x768xf32, #tpu.memory_space<vmem>>) offsets(%dma_start3A_324 : memref<32xi32, #tpu.memory_space<vmem>>) semaphore(%arg16 : memref<!tpu.dma_semaphore, #tpu.memory_space<semaphore_mem>>)
      } else {
      }
      %dma_wait3A_228 = arith.constant 0 : i32
      %dma_wait3A_229 = arith.constant 0 : i32
      %dma_wait3A_230 = tpu.memref_slice %arg4[%dma_wait3A_228, %dma_wait3A_229] : memref<30522x768xf32, #tpu.memory_space<hbm>> -> memref<32x768xf32, #tpu.memory_space<hbm>>
      %dma_wait3A_231 = arith.constant 0 : i32
      %dma_wait3A_232 = arith.constant 0 : i32
      %dma_wait3A_233 = tpu.memref_slice %arg4[%dma_wait3A_231, %dma_wait3A_232] : memref<30522x768xf32, #tpu.memory_space<hbm>> -> memref<32x768xf32, #tpu.memory_space<hbm>>
      tpu.wait_dma2 semaphore(%arg18 : memref<!tpu.dma_semaphore, #tpu.memory_space<semaphore_mem>>) src(%dma_wait3A_233 : memref<32x768xf32, #tpu.memory_space<hbm>>) dst(%arg14 : memref<32x768xf32, #tpu.memory_space<vmem>>)
      %mul3A_234 = arith.constant 2 : i32
      %mul3A_235 = arith.muli %mul3A_234, %add3A_215 : i32
      %mul3A_236 = arith.constant 512 : i32
      %mul3A_237 = arith.muli %mul3A_235, %mul3A_236 : i32
      %add3A_238 = arith.addi %mul3A_237, %mul3A_2 : i32
      %mul3A_239 = arith.constant 2 : i32
      %mul3A_240 = arith.muli %mul3A_239, %add3A_215 : i32
      %add3A_241 = arith.constant 1 : i32
      %add3A_242 = arith.addi %mul3A_240, %add3A_241 : i32
      %mul3A_243 = arith.constant 512 : i32
      %mul3A_244 = arith.muli %add3A_242, %mul3A_243 : i32
      %add3A_245 = arith.addi %mul3A_244, %mul3A_2 : i32
      %dma_start3A_246 = arith.constant 0 : i32
      %dma_start3A_247 = arith.constant 0 : i32
      %dma_start3A_248 = tpu.memref_slice %arg14[%dma_start3A_246, %dma_start3A_247] : memref<32x768xf32, #tpu.memory_space<vmem>> -> memref<16x768xf32, #tpu.memory_space<vmem>>
      %dma_start3A_249 = arith.constant 0 : i32
      %dma_start3A_250 = tpu.memref_slice %arg5[%add3A_238, %dma_start3A_249] : memref<16384x768xf32, #tpu.memory_space<hbm>> -> memref<16x768xf32, #tpu.memory_space<hbm>>
      %dma_start3A_251 = arith.constant 0 : i32
      %dma_start3A_252 = tpu.memref_slice %arg5[%add3A_238, %dma_start3A_251] : memref<16384x768xf32, #tpu.memory_space<hbm>> -> memref<16x768xf32, #tpu.memory_space<hbm>>
      %dma_start3A_253 = arith.constant 0 : i32
      %dma_start3A_254 = arith.constant 0 : i32
      %dma_start3A_255 = tpu.memref_slice %arg14[%dma_start3A_253, %dma_start3A_254] : memref<32x768xf32, #tpu.memory_space<vmem>> -> memref<16x768xf32, #tpu.memory_space<vmem>>
      tpu.enqueue_dma source(%dma_start3A_255 : memref<16x768xf32, #tpu.memory_space<vmem>>) target(%dma_start3A_252 : memref<16x768xf32, #tpu.memory_space<hbm>>) target_semaphore(%arg22 : memref<!tpu.dma_semaphore, #tpu.memory_space<semaphore_mem>>)
      %dma_start3A_256 = arith.constant 16 : i32
      %dma_start3A_257 = arith.constant 0 : i32
      %dma_start3A_258 = tpu.memref_slice %arg14[%dma_start3A_256, %dma_start3A_257] : memref<32x768xf32, #tpu.memory_space<vmem>> -> memref<16x768xf32, #tpu.memory_space<vmem>>
      %dma_start3A_259 = arith.constant 0 : i32
      %dma_start3A_260 = tpu.memref_slice %arg5[%add3A_245, %dma_start3A_259] : memref<16384x768xf32, #tpu.memory_space<hbm>> -> memref<16x768xf32, #tpu.memory_space<hbm>>
      %dma_start3A_261 = arith.constant 0 : i32
      %dma_start3A_262 = tpu.memref_slice %arg5[%add3A_245, %dma_start3A_261] : memref<16384x768xf32, #tpu.memory_space<hbm>> -> memref<16x768xf32, #tpu.memory_space<hbm>>
      %dma_start3A_263 = arith.constant 16 : i32
      %dma_start3A_264 = arith.constant 0 : i32
      %dma_start3A_265 = tpu.memref_slice %arg14[%dma_start3A_263, %dma_start3A_264] : memref<32x768xf32, #tpu.memory_space<vmem>> -> memref<16x768xf32, #tpu.memory_space<vmem>>
      tpu.enqueue_dma source(%dma_start3A_265 : memref<16x768xf32, #tpu.memory_space<vmem>>) target(%dma_start3A_262 : memref<16x768xf32, #tpu.memory_space<hbm>>) target_semaphore(%arg22 : memref<!tpu.dma_semaphore, #tpu.memory_space<semaphore_mem>>)
      %mul3A_266 = arith.constant 4 : i32
      %mul3A_267 = arith.muli %scan3A_106, %mul3A_266 : i32
      %add3A_268 = arith.constant 3 : i32
      %add3A_269 = arith.addi %mul3A_267, %add3A_268 : i32
      %ge3A_270 = arith.constant 2 : i32
      %ge3A_271 = arith.cmpi sge, %add3A_269, %ge3A_270 : i32
      %convert_element_type3A_272 = arith.extui %ge3A_271 : i1 to i32
      %cond3A_273 = arith.constant 0 : i32
      %cond3A_274 = arith.cmpi ne, %convert_element_type3A_272, %cond3A_273 : i32
      scf.if %cond3A_274 {
        %dma_wait3A_320 = arith.constant 0 : i32
        %dma_wait3A_321 = arith.constant 0 : i32
        %dma_wait3A_322 = tpu.memref_slice %arg4[%dma_wait3A_320, %dma_wait3A_321] : memref<30522x768xf32, #tpu.memory_space<hbm>> -> memref<32x768xf32, #tpu.memory_space<hbm>>
        %dma_wait3A_323 = arith.constant 0 : i32
        %dma_wait3A_324 = arith.constant 0 : i32
        %dma_wait3A_325 = tpu.memref_slice %arg4[%dma_wait3A_323, %dma_wait3A_324] : memref<30522x768xf32, #tpu.memory_space<hbm>> -> memref<32x768xf32, #tpu.memory_space<hbm>>
        tpu.wait_dma2 semaphore(%arg21 : memref<!tpu.dma_semaphore, #tpu.memory_space<semaphore_mem>>) src(%dma_wait3A_325 : memref<32x768xf32, #tpu.memory_space<hbm>>) dst(%arg13 : memref<32x768xf32, #tpu.memory_space<vmem>>)
      } else {
      }
      %add3A_275 = arith.constant 2 : i32
      %add3A_276 = arith.addi %add3A_269, %add3A_275 : i32
      %lt3A_277 = arith.constant 16 : i32
      %lt3A_278 = arith.cmpi slt, %add3A_276, %lt3A_277 : i32
      %convert_element_type3A_279 = arith.extui %lt3A_278 : i1 to i32
      %cond3A_280 = arith.constant 0 : i32
      %cond3A_281 = arith.cmpi ne, %convert_element_type3A_279, %cond3A_280 : i32
      scf.if %cond3A_281 {
        %add3A_320 = arith.constant 2 : i32
        %add3A_321 = arith.addi %add3A_269, %add3A_320 : i32
        %dma_start3A_322 = arith.constant 0 : i32
        %dma_start3A_323 = tpu.memref_slice %arg9[%add3A_321, %dma_start3A_322] : memref<16x32xi32, #tpu.memory_space<vmem>> -> memref<1x32xi32, #tpu.memory_space<vmem>>
        %dma_start3A_324 = tpu.memref_squeeze %dma_start3A_323 : memref<1x32xi32, #tpu.memory_space<vmem>> -> memref<32xi32, #tpu.memory_space<vmem>>
        %dma_start3A_325 = arith.constant 0 : i32
        %dma_start3A_326 = arith.constant 0 : i32
        %dma_start3A_327 = tpu.memref_slice %arg4[%dma_start3A_325, %dma_start3A_326] : memref<30522x768xf32, #tpu.memory_space<hbm>> -> memref<30522x768xf32, #tpu.memory_space<hbm>>
        tpu.enqueue_indirect_dma source(%dma_start3A_327 : memref<30522x768xf32, #tpu.memory_space<hbm>>) target(%arg13 : memref<32x768xf32, #tpu.memory_space<vmem>>) offsets(%dma_start3A_324 : memref<32xi32, #tpu.memory_space<vmem>>) semaphore(%arg17 : memref<!tpu.dma_semaphore, #tpu.memory_space<semaphore_mem>>)
      } else {
      }
      %dma_wait3A_282 = arith.constant 0 : i32
      %dma_wait3A_283 = arith.constant 0 : i32
      %dma_wait3A_284 = tpu.memref_slice %arg4[%dma_wait3A_282, %dma_wait3A_283] : memref<30522x768xf32, #tpu.memory_space<hbm>> -> memref<32x768xf32, #tpu.memory_space<hbm>>
      %dma_wait3A_285 = arith.constant 0 : i32
      %dma_wait3A_286 = arith.constant 0 : i32
      %dma_wait3A_287 = tpu.memref_slice %arg4[%dma_wait3A_285, %dma_wait3A_286] : memref<30522x768xf32, #tpu.memory_space<hbm>> -> memref<32x768xf32, #tpu.memory_space<hbm>>
      tpu.wait_dma2 semaphore(%arg19 : memref<!tpu.dma_semaphore, #tpu.memory_space<semaphore_mem>>) src(%dma_wait3A_287 : memref<32x768xf32, #tpu.memory_space<hbm>>) dst(%arg15 : memref<32x768xf32, #tpu.memory_space<vmem>>)
      %mul3A_288 = arith.constant 2 : i32
      %mul3A_289 = arith.muli %mul3A_288, %add3A_269 : i32
      %mul3A_290 = arith.constant 512 : i32
      %mul3A_291 = arith.muli %mul3A_289, %mul3A_290 : i32
      %add3A_292 = arith.addi %mul3A_291, %mul3A_2 : i32
      %mul3A_293 = arith.constant 2 : i32
      %mul3A_294 = arith.muli %mul3A_293, %add3A_269 : i32
      %add3A_295 = arith.constant 1 : i32
      %add3A_296 = arith.addi %mul3A_294, %add3A_295 : i32
      %mul3A_297 = arith.constant 512 : i32
      %mul3A_298 = arith.muli %add3A_296, %mul3A_297 : i32
      %add3A_299 = arith.addi %mul3A_298, %mul3A_2 : i32
      %dma_start3A_300 = arith.constant 0 : i32
      %dma_start3A_301 = arith.constant 0 : i32
      %dma_start3A_302 = tpu.memref_slice %arg15[%dma_start3A_300, %dma_start3A_301] : memref<32x768xf32, #tpu.memory_space<vmem>> -> memref<16x768xf32, #tpu.memory_space<vmem>>
      %dma_start3A_303 = arith.constant 0 : i32
      %dma_start3A_304 = tpu.memref_slice %arg5[%add3A_292, %dma_start3A_303] : memref<16384x768xf32, #tpu.memory_space<hbm>> -> memref<16x768xf32, #tpu.memory_space<hbm>>
      %dma_start3A_305 = arith.constant 0 : i32
      %dma_start3A_306 = tpu.memref_slice %arg5[%add3A_292, %dma_start3A_305] : memref<16384x768xf32, #tpu.memory_space<hbm>> -> memref<16x768xf32, #tpu.memory_space<hbm>>
      %dma_start3A_307 = arith.constant 0 : i32
      %dma_start3A_308 = arith.constant 0 : i32
      %dma_start3A_309 = tpu.memref_slice %arg15[%dma_start3A_307, %dma_start3A_308] : memref<32x768xf32, #tpu.memory_space<vmem>> -> memref<16x768xf32, #tpu.memory_space<vmem>>
      tpu.enqueue_dma source(%dma_start3A_309 : memref<16x768xf32, #tpu.memory_space<vmem>>) target(%dma_start3A_306 : memref<16x768xf32, #tpu.memory_space<hbm>>) target_semaphore(%arg23 : memref<!tpu.dma_semaphore, #tpu.memory_space<semaphore_mem>>)
      %dma_start3A_310 = arith.constant 16 : i32
      %dma_start3A_311 = arith.constant 0 : i32
      %dma_start3A_312 = tpu.memref_slice %arg15[%dma_start3A_310, %dma_start3A_311] : memref<32x768xf32, #tpu.memory_space<vmem>> -> memref<16x768xf32, #tpu.memory_space<vmem>>
      %dma_start3A_313 = arith.constant 0 : i32
      %dma_start3A_314 = tpu.memref_slice %arg5[%add3A_299, %dma_start3A_313] : memref<16384x768xf32, #tpu.memory_space<hbm>> -> memref<16x768xf32, #tpu.memory_space<hbm>>
      %dma_start3A_315 = arith.constant 0 : i32
      %dma_start3A_316 = tpu.memref_slice %arg5[%add3A_299, %dma_start3A_315] : memref<16384x768xf32, #tpu.memory_space<hbm>> -> memref<16x768xf32, #tpu.memory_space<hbm>>
      %dma_start3A_317 = arith.constant 16 : i32
      %dma_start3A_318 = arith.constant 0 : i32
      %dma_start3A_319 = tpu.memref_slice %arg15[%dma_start3A_317, %dma_start3A_318] : memref<32x768xf32, #tpu.memory_space<vmem>> -> memref<16x768xf32, #tpu.memory_space<vmem>>
      tpu.enqueue_dma source(%dma_start3A_319 : memref<16x768xf32, #tpu.memory_space<vmem>>) target(%dma_start3A_316 : memref<16x768xf32, #tpu.memory_space<hbm>>) target_semaphore(%arg23 : memref<!tpu.dma_semaphore, #tpu.memory_space<semaphore_mem>>)
    }
    %scan3A_91 = arith.constant 4 : i32
    %dma_wait3A_92 = arith.constant 0 : i32
    %dma_wait3A_93 = arith.constant 0 : i32
    %dma_wait3A_94 = tpu.memref_slice %arg4[%dma_wait3A_92, %dma_wait3A_93] : memref<30522x768xf32, #tpu.memory_space<hbm>> -> memref<32x768xf32, #tpu.memory_space<hbm>>
    %dma_wait3A_95 = arith.constant 0 : i32
    %dma_wait3A_96 = arith.constant 0 : i32
    %dma_wait3A_97 = tpu.memref_slice %arg4[%dma_wait3A_95, %dma_wait3A_96] : memref<30522x768xf32, #tpu.memory_space<hbm>> -> memref<32x768xf32, #tpu.memory_space<hbm>>
    tpu.wait_dma2 semaphore(%arg22 : memref<!tpu.dma_semaphore, #tpu.memory_space<semaphore_mem>>) src(%dma_wait3A_97 : memref<32x768xf32, #tpu.memory_space<hbm>>) dst(%arg14 : memref<32x768xf32, #tpu.memory_space<vmem>>)
    %dma_wait3A_98 = arith.constant 0 : i32
    %dma_wait3A_99 = arith.constant 0 : i32
    %dma_wait3A_100 = tpu.memref_slice %arg4[%dma_wait3A_98, %dma_wait3A_99] : memref<30522x768xf32, #tpu.memory_space<hbm>> -> memref<32x768xf32, #tpu.memory_space<hbm>>
    %dma_wait3A_101 = arith.constant 0 : i32
    %dma_wait3A_102 = arith.constant 0 : i32
    %dma_wait3A_103 = tpu.memref_slice %arg4[%dma_wait3A_101, %dma_wait3A_102] : memref<30522x768xf32, #tpu.memory_space<hbm>> -> memref<32x768xf32, #tpu.memory_space<hbm>>
    tpu.wait_dma2 semaphore(%arg23 : memref<!tpu.dma_semaphore, #tpu.memory_space<semaphore_mem>>) src(%dma_wait3A_103 : memref<32x768xf32, #tpu.memory_space<hbm>>) dst(%arg15 : memref<32x768xf32, #tpu.memory_space<vmem>>)
    %mul3A_104 = arith.constant 512 : i32
    %mul3A_105 = arith.muli %add3A, %mul3A_104 : i32
    "tpu.region"() ({
      %run_scoped3A = tpu.sem_alloc : memref<!tpu.dma_semaphore, #tpu.memory_space<semaphore_mem>>
      %dma_start3A_106 = tpu.memref_slice %arg6[%mul3A_105] : memref<16384xf32, #tpu.memory_space<hbm>> -> memref<512xf32, #tpu.memory_space<hbm>>
      %dma_start3A_107 = tpu.memref_slice %arg6[%mul3A_105] : memref<16384xf32, #tpu.memory_space<hbm>> -> memref<512xf32, #tpu.memory_space<hbm>>
      tpu.enqueue_dma source(%arg11 : memref<512xf32, #tpu.memory_space<vmem>>) target(%dma_start3A_107 : memref<512xf32, #tpu.memory_space<hbm>>) target_semaphore(%run_scoped3A : memref<!tpu.dma_semaphore, #tpu.memory_space<semaphore_mem>>)
      %dma_wait3A_108 = tpu.memref_slice %arg6[%mul3A_105] : memref<16384xf32, #tpu.memory_space<hbm>> -> memref<512xf32, #tpu.memory_space<hbm>>
      %dma_wait3A_109 = tpu.memref_slice %arg6[%mul3A_105] : memref<16384xf32, #tpu.memory_space<hbm>> -> memref<512xf32, #tpu.memory_space<hbm>>
      tpu.wait_dma2 semaphore(%run_scoped3A : memref<!tpu.dma_semaphore, #tpu.memory_space<semaphore_mem>>) src(%arg11 : memref<512xf32, #tpu.memory_space<vmem>>) dst(%dma_wait3A_109 : memref<512xf32, #tpu.memory_space<hbm>>)
      tpu.yield
    }) : () -> ()
    return
  }
}

</mosaic_0001>

<sc_bundles>
// kernel: _sc_gather.3.cloned.1.call-start
scs
__scs_entry_jumppad:
0x0: {  	(pc) =	sbr.rel $0x88, $3  }
0x1: {  	(tag) =	ssettag $0x0;
	lr =	simm.s32 $0x1  }
0x2: {  	[smem:$0x3F9E] =	sst lr;
	_ =	strace $0xD0000000  }
0x3: {  	_ = 	snop  }
0x4: {  	_ = 	snop  }
0x5: {  	_ = 	snop  }
0x6: {  	_ = 	snop  }
0x7: {  	_ = 	snop  }
__scs_overlays_trampoline_lowered:
0x8: {  	[smem:$0x3FAD] =	sst s0  }
0x9: {  	[smem:$0x3FAE] =	sst s1  }
0xa: {  	[smem:$0x3FAF] =	sst s2  }
0xb: {  	[smem:$0x3FB0] =	sst s3  }
0xc: {  	[smem:$0x3FB1] =	sst s4  }
0xd: {  	[smem:$0x3FB2] =	sst s5  }
0xe: {  	[smem:$0x3FB3] =	sst s6  }
0xf: {  	[smem:$0x3FB4] =	sst s7  }
0x10: {  	[smem:$0x3FB5] =	sst s8  }
0x11: {  	[smem:$0x3FB6] =	sst s9;
	s0 =	simm.s32 @!p0 $0x0  }
0x12: {  	s1 =	sld [smem:$0x3F9C];
	s0 =	simm.s32 @p0 $0x1  }
0x13: {  	[smem:$0x3FB7] =	sst s0;
	s0 =	simm.s32 @!p1 $0x0  }
0x14: {  	s2 =	sld [smem:$0x3F9B];
	s0 =	simm.s32 @p1 $0x1  }
0x15: {  	[smem:$0x3FB8] =	sst s0;
	s0 =	simm.s32 @!p2 $0x0  }
0x16: {  	s3 =	sld [smem:$0x3FDB];
	s0 =	simm.s32 @p2 $0x1  }
0x17: {  	s4 =	simm.s32 $0x1BF5;
	[smem:$0x3FBA] =	sst s0  }
0x18: {  	s0 =	sld [smem:$0x3F9D];
	_ =	swait.ge [sflag:s4], $0x0  }
0x19: {  	s7 =	sld [smem:$0x3F9E]  }
0x1a: {  	s8 =	sadd.s32 $0xFFFFE003, lr  }
0x1b: {  	s9 =	sadd.s32 $0xFFFFFEF7, lr;
	s5 =	simm.s32 $0xFFFFFFFF;
	p2 =	slt.u32 s8, $0xFFFFF086  }
0x1c: {  	p1 =	slt.u32 s9, $0xF7A;
	s5 =	simm.s32 @!p2 $0x0  }
0x1d: {  	s5 =	simm.s32 @p1 $0x1;
	p0 =	seq.s32 s7, s2  }
0x1e: {  	s7 =	smul.u32 @!p0 $0xF7A, s2;
	p2 =	seq.s32 @!p0 s5, $0x0  }
0x1f: {  	s9 =	smul.u32 $0xF7A, s1;
	s8 =	simm.s32 @!p0 $0x1BF5;
	p2 =	por !p2, p0  }
0x20: {  	[sflag:s8] =	ssyncset.s32 @!p0 $0xFFFFF086;
	s6 =	sadd.s32 @!p0 s3, s7;
	s7 =	simm.s32 @!p0 $0x108  }
0x21: {  	s3 =	sadd.s32 s3, s9;
	s6 =	sadd.s32 @!p0 $0x88, s6;
	s7 =	simm.s32 @p2 $0x1082  }
0x22: {  	[simem:s7], [sflag:s8] =	dma.local @!p0 [hbm:s6], $0xF7A  }
0x23: {  	s9 =	sor.u32 $0xD0000000, s2;
	s6 =	simm.s32 $0x108;
	_ =	swait.ge @!p0 [sflag:s8], $0x0  }
0x24: {  	s3 =	sadd.s32 $0x88, s3;
	s6 =	simm.s32 @!p1 $0x1082;
	[sflag:s4] =	ssyncset.s32 $0xFFFFF086  }
0x25: {  	[simem:s6], [sflag:s4] =	dma.local [hbm:s3], $0xF7A  }
0x26: {  	[smem:$0x3F9E] =	sst s1;
	(tag) =	ssettag s2;
	_ =	strace s9  }
0x27: {  	s1 =	sld [smem:$0x3FAE]  }
0x28: {  	s2 =	sld [smem:$0x3FAF]  }
0x29: {  	s4 =	sld [smem:$0x3FB1]  }
0x2a: {  	p0 =	seq.s32 s5, $0x0;
	s5 =	sld [smem:$0x3FB2]  }
0x2b: {  	s6 =	sld [smem:$0x3FB3]  }
0x2c: {  	s7 =	sld [smem:$0x3FB4]  }
0x2d: {  	s3 =	simm.s32 $0x108;
	s8 =	sld [smem:$0x3FB5]  }
0x2e: {  	s3 =	simm.s32 @!p0 $0x1082;
	s9 =	sld [smem:$0x3FB6]  }
0x2f: {  	lr =	sadd.s32 s0, s3;
	s0 =	sld [smem:$0x3FAD]  }
0x30: {  	s3 =	sld [smem:$0x3FB0]  }
0x31: {  	[smem:$0x3FB9] =	sst s10  }
0x32: {  	s10 =	sld [smem:$0x3FB7];
	_ =	sdelay $0x3  }
0x33: {  	p0 =	seq.s32 s10, $0x1;
	s10 =	sld [smem:$0x3FB9];
	_ =	sdelay $0x3  }
0x34: {  	[smem:$0x3FB9] =	sst s10  }
0x35: {  	s10 =	sld [smem:$0x3FB8];
	_ =	sdelay $0x3  }
0x36: {  	p1 =	seq.s32 s10, $0x1;
	s10 =	sld [smem:$0x3FB9];
	_ =	sdelay $0x3  }
0x37: {  	[smem:$0x3FB9] =	sst s10  }
0x38: {  	s10 =	sld [smem:$0x3FBA]  }
0x39: {  	_ = 	snop;
	(pc) =	sbr.ind lr, $3  }
0x3a: {  	_ = 	snop  }
0x3b: {  	_ = 	snop  }
0x3c: {  	p2 =	seq.s32 s10, $0x1;
	s10 =	sld [smem:$0x3FB9]  }
0x3d: {  	_ =	shalt  }
0x3e: {  	_ =	shalt  }
0x3f: {  	_ =	shalt  }
0x40: {  	_ =	shalt  }
0x41: {  	_ =	shalt  }
0x42: {  	_ =	shalt  }
0x43: {  	_ =	shalt  }
0x44: {  	_ =	shalt  }
0x45: {  	_ =	shalt  }
0x46: {  	_ =	shalt  }
0x47: {  	_ =	shalt  }
0x48: {  	_ =	shalt  }
0x49: {  	_ =	shalt  }
0x4a: {  	_ =	shalt  }
0x4b: {  	_ =	shalt  }
0x4c: {  	_ =	shalt  }
0x4d: {  	_ =	shalt  }
0x4e: {  	_ =	shalt  }
0x4f: {  	_ =	shalt  }
0x50: {  	_ =	shalt  }
0x51: {  	_ =	shalt  }
0x52: {  	_ =	shalt  }
0x53: {  	_ =	shalt  }
0x54: {  	_ =	shalt  }
0x55: {  	_ =	shalt  }
0x56: {  	_ =	shalt  }
0x57: {  	_ =	shalt  }
0x58: {  	_ =	shalt  }
0x59: {  	_ =	shalt  }
0x5a: {  	_ =	shalt  }
0x5b: {  	_ =	shalt  }
0x5c: {  	_ =	shalt  }
0x5d: {  	_ =	shalt  }
0x5e: {  	_ =	shalt  }
0x5f: {  	_ =	shalt  }
0x60: {  	_ =	shalt  }
0x61: {  	_ =	shalt  }
0x62: {  	_ =	shalt  }
0x63: {  	_ =	shalt  }
0x64: {  	_ =	shalt  }
0x65: {  	_ =	shalt  }
0x66: {  	_ =	shalt  }
0x67: {  	_ =	shalt  }
0x68: {  	_ =	shalt  }
0x69: {  	_ =	shalt  }
0x6a: {  	_ =	shalt  }
0x6b: {  	_ =	shalt  }
0x6c: {  	_ =	shalt  }
0x6d: {  	_ =	shalt  }
0x6e: {  	_ =	shalt  }
0x6f: {  	_ =	shalt  }
0x70: {  	_ =	shalt  }
0x71: {  	_ =	shalt  }
0x72: {  	_ =	shalt  }
0x73: {  	_ =	shalt  }
0x74: {  	_ =	shalt  }
0x75: {  	_ =	shalt  }
0x76: {  	_ =	shalt  }
0x77: {  	_ =	shalt  }
0x78: {  	_ =	shalt  }
0x79: {  	_ =	shalt  }
0x7a: {  	_ =	shalt  }
0x7b: {  	_ =	shalt  }
0x7c: {  	_ =	shalt  }
0x7d: {  	_ =	shalt  }
0x7e: {  	_ =	shalt  }
0x7f: {  	_ =	shalt  }
0x80: {  	_ =	shalt  }
0x81: {  	_ =	shalt  }
0x82: {  	_ =	shalt  }
0x83: {  	_ =	shalt  }
0x84: {  	_ =	shalt  }
0x85: {  	_ =	shalt  }
0x86: {  	_ =	shalt  }
0x87: {  	_ =	shalt  }
.Lfunc_end0:
.L_simem_size_0:
called_computation_lowered:
.L_overlay_start_0:
0x88: {  	s2 =	sld [smem:$0x3FD9]  }
0x89: {  	s3 =	sld [smem:$0x3FFE];
	_ =	sdelay $0x1  }
0x8a: {  	s1 =	srdreg.scid  }
0x8b: {  	s0 =	sand.u32 $0x1, s1  }
0x8c: {  	s15 =	sshll.u32 s0, $0xA;
	s2 =	sadd.s32 s3, s2  }
0x8d: {  	s2 =	sadd.s32 s2, s15  }
0x8e: {  	[smem:$0x3FC5] =	sst s2  }
0x8f: {  	_ = 	snop  }
0x90: {  	s2 =	sld [smem:$0x3FD0]  }
0x91: {  	s16 =	sld [smem:$0x3FC9]  }
0x92: {  	s4 =	sld [smem:$0x3FC8]  }
0x93: {  	s6 =	simm.s32 $0xA;
	s7 =	simm.s32 $0x10;
	s5 =	sld [smem:$0x3FC7]  }
0x94: {  	[smem:s7], [sflag:s6] =	dma.local [hbm:s2], $0x1  }
0x95: {  	_ =	swait.eq [sflag:s6], $0x1  }
0x96: {  	[sflag:s6] =	ssyncset.done $0x0  }
0x97: {  	s17 =	sld [smem:$0x10];
	[sflag:s6] =	ssyncadd.s32 $0xFFFFFFFF  }
0x98: {  	s18 =	sld [smem:$0x11];
	(tm) =	ssettm $0x1  }
0x99: {  	s19 =	sld [smem:$0x3FFB];
	_ =	sdelay $0x3  }
0x9a: {  	_ =	strace s19  }
0x9b: {  	s7 =	sld [smem:$0x3FFC];
	_ =	sdelay $0x3  }
0x9c: {  	_ =	strace s7  }
0x9d: {  	s7 =	sld [smem:$0x3FFD];
	_ =	sdelay $0x3  }
0x9e: {  	_ =	strace s7  }
0x9f: {  	_ =	strace $0x8FFFFFFF  }
0xa0: {  	s20 =	sld [smem:$0x3FDB];
	_ =	sdelay $0x1  }
0xa1: {  	s8 =	simm.s32 $_scs_section_size  }
0xa2: {  	s9 =	simm.s32 $_size__tile_overlayer_lowered;
	s10 =	simm.s32 $_tile_overlayer_lowered  }
0xa3: {  	s23 =	simm.s32 $0x1BFF;
	s22 =	sshll.u32 s10, $0x1;
	s7 =	sadd.s32 s8, s20  }
0xa4: {  	s11 =	simm.s32 $0x0;
	s21 =	sshll.u32 s9, $0x1;
	s9 =	sadd.s32 s22, s7  }
0xa5: {  	[timem:s11], [sflag:s23] =	dma.local [hbm:s9], s21  }
0xa6: {  	_ =	swait.ge [sflag:s23], s21  }
0xa7: {  	s8 =	ssub.s32 $0x0, s21;
	[sflag:s23] =	ssyncset.done $0x0  }
0xa8: {  	[sflag:s23] =	ssyncadd.s32 s8;
	_ =	sdelay $0x1  }
0xa9: {  	s24 =	simm.s32 $0x1B8B  }
0xaa: {  	_ =	swait.ge [sflag:s24], $0x1  }
0xab: {  	[sflag:s24] =	ssyncset.done $0x0  }
0xac: {  	s25 =	simm.s32 $0x1B8E;
	[sflag:s24] =	ssyncadd.s32 $0xFFFFFFFF  }
0xad: {  	s26 =	simm.s32 $execute0_lowered;
	[smem:$0x3FD2] =	sst s25  }
0xae: {  	s8 =	sshll.u32 s26, $0x1;
	_ =	strace $0x80000046;
	[dreg:$0x1] =	wrdreg $0xFFFFFFFF  }
0xaf: {  	s28 =	simm.s32 $_size_execute0_lowered;
	s7 =	sadd.s32 s7, s8;
	[dreg:$0x0] =	wrdreg $0x0  }
0xb0: {  	s8 =	sshll.u32 s28, $0x1;
	[dreg:$0x2] =	wrdreg s7  }
0xb1: {  	[dreg:$0x3] =	wrdreg s8  }
0xb2: {  	[dreg:$0x4] =	wrdreg $0xC0  }
0xb3: {  	_ =	task [dreg:s11], $0x5FFFF  }
0xb4: {  	[dreg:$0x1] =	wrdreg $0xFFFFFFFF  }
0xb5: {  	[dreg:$0x0] =	wrdreg $0x60  }
0xb6: {  	[dreg:$0x2] =	wrdreg s16  }
0xb7: {  	[dreg:$0x3] =	wrdreg s4  }
0xb8: {  	[dreg:$0x4] =	wrdreg s5  }
0xb9: {  	[dreg:$0x5] =	wrdreg s17  }
0xba: {  	[dreg:$0x6] =	wrdreg s18  }
0xbb: {  	[dreg:$0x7] =	wrdreg $0x9  }
0xbc: {  	_ =	task.clear_ibuf [dreg:s11], $0x8FFFF;
	_ =	strace $0x90000046  }
0xbd: {  	s29 =	simm.s32 $0x9;
	_ =	strace $0x80000048  }
0xbe: {  	_ =	swait.ge [sflag:s29], $0x1  }
0xbf: {  	[sflag:s29] =	ssyncadd.s32 $0xFFFFFFFF  }
0xc0: {  	_ =	strace $0x90000048  }
0xc1: {  	_ =	sfence  }
0xc2: {  	s30 =	sld [smem:$0x0];
	_ =	sdelay $0x2  }
0xc3: {  	s31 =	sshll.u32 s1, $0xD;
	s1 =	sshrl.u32 s1, $0x2  }
0xc4: {  	s3 =	sand.u32 $0x4000, s31;
	s1 =	sadd.s32 s1, s30  }
0xc5: {  	s0 =	sor.u32 s3, s0;
	s1 =	sshll.u32 s1, $0x11  }
0xc6: {  	s0 =	sor.u32 s1, s0  }
0xc7: {  	s0 =	sadd.s32 $0x8F2B, s0  }
0xc8: {  	[sflag:s0] =	ssyncadd.remote.s32 $0x1  }
0xc9: {  	_ =	sfence.sel $0xFFFF  }
0xca: {  	[dreg:$0x0] =	wrdreg $0xFFFFFFFF;
	(pc) =	sbr.abs _section_cstart, $3  }
0xcb: {  	[dreg:$0x1] =	wrdreg $0xFFFFFFFF  }
0xcc: {  	_ =	task.clear_ibuf [dreg:s11], $0x2FFFF;
	_ =	strace $0x9FFFFFFF  }
0xcd: {  	(tm) =	ssettm $0x7FFFFFFF  }
tec
execute0_lowered:
.L_overlay_start_1:
0x0: {  	(tag) =	ssettag $0x1  }
0x1: {  	s1 =	rddreg [dreg:$0x1]  }
0x2: {  	s2 =	rddreg [dreg:$0x2];
	s0 =	srdreg.scid  }
0x3: {  	s3 =	rddreg [dreg:$0x3];
	s12 =	stileid.u32  }
0x4: {  	s8 =	rddreg [dreg:$0x4];
	s4 =	simm.s32 $0x0;
	s22 =	simm.s32 $0xE480  }
0x5: {  	s24 =	simm.s32 $0xEC80;
	s25 =	simm.s32 $0xF480;
	s26 =	simm.s32 $0xFC80  }
0x6: {  	s14 =	simm.s32 $0x12480;
	s15 =	simm.s32 $0x12C80;
	[smem:$0x7FF] =	sst s4  }
0x7: {  	s16 =	simm.s32 $0x13480;
	_ =	strace $0x80000047;
	[dreg:$0x9] =	wrdreg s22  }
0x8: {  	s29 =	simm.s32 $0x7C80;
	s28 =	simm.s32 $0x5;
	[dreg:$0xa] =	wrdreg s24  }
0x9: {  	s30 =	simm.s32 $0x3;
	s31 =	simm.s32 $0x6;
	[dreg:$0xb] =	wrdreg s25  }
0xa: {  	s5 =	sand.u32 $0x1, s0;
	s17 =	sshll.u32 s12, $0x5;
	[dreg:$0xc] =	wrdreg s26  }
0xb: {  	s21 =	sshll.u32 s12, $0x7;
	s6 =	sshll.u32 s5, $0x4;
	[dreg:$0x10] =	wrdreg s14  }
0xc: {  	s18 =	ssub.s32 $0x2, s5;
	s5 =	sshll.u32 s5, $0x6;
	[dreg:$0x11] =	wrdreg s15  }
0xd: {  	[dreg:$0x12] =	wrdreg s16;
	s15 =	simm.s32 $0xA;
	s16 =	simm.s32 $0x1C80  }
0xe: {  	s22 =	simm.s32 $0x17480;
	s24 =	simm.s32 $0x18480;
	s25 =	simm.s32 $0x18C80  }
0xf: {  	s26 =	simm.s32 $0x19480;
	s14 =	simm.s32 $0x0;
	s10 =	sor.u32 s6, s17  }
0x10: {  	s11 =	sshrl.u32 s18, $0x1;
	s23 =	sor.u32 s5, s21;
	[dreg:$0x18] =	wrdreg s22  }
0x11: {  	s6 =	sadd.s32 $0x100, s2;
	s5 =	simm.s32 $0x11480;
	[dreg:$0x1a] =	wrdreg s24  }
0x12: {  	s17 =	simm.s32 $0x14480;
	s21 =	simm.s32 $0x16480;
	[dreg:$0x1b] =	wrdreg s25  }
0x13: {  	s22 =	simm.s32 $0x4C80;
	[dreg:$0x1c] =	wrdreg s26;
	s24 =	simm.s32 $0x13C80  }
0x14: {  	s25 =	simm.s32 $0x16C80;
	s26 =	simm.s32 $0x2;
	s0 =	sor.u32 $0x800, s10  }
0x15: {  	s7 =	sshrl.u32 s10, $0x3;
	s9 =	sor.u32 $0xC00, s10;
	s11 =	ssub.s32 s18, s11  }
0x16: {  	s1 =	sadd.s32 s1, s23;
	s8 =	sadd.s32 s8, s23;
	[dreg:$0xe] =	wrdreg s5  }
0x17: {  	s13 =	sand.u32 $0x70, s10;
	[dreg:$0x13] =	wrdreg s17;
	s18 =	simm.s32 $0x14C80  }
0x18: {  	[dreg:$0x17] =	wrdreg s21;
	s23 =	simm.s32 $0x17C80;
	s21 =	simm.s32 $0x10C80  }
0x19: {  	s0 =	sshrl.u32 s0, $0x3;
	s7 =	smul.u32 $0x300, s7;
	[dreg:$0x1d] =	wrdreg s1  }
0x1a: {  	s9 =	sshrl.u32 s9, $0x3;
	s10 =	sor.u32 $0x80, s13;
	[dreg:$0x14] =	wrdreg s18  }
0x1b: {  	s13 =	simm.s32 $0x9;
	[dreg:$0x19] =	wrdreg s23;
	s0 =	smul.u32 $0x300, s0  }
0x1c: {  	s23 =	simm.s32 $0x1;
	s9 =	smul.u32 $0x300, s9;
	s20 =	sadd.s32 s7, s3  }
0x1d: {  	s1 =	simm.s32 $0x7;
	s19 =	sadd.s32 s0, s3;
	[dreg:$0x7] =	wrdreg s20  }
0x1e: {  	s7 =	sadd.s32 $0x200, s2;
	s3 =	sadd.s32 s9, s3;
	[dreg:$0x6] =	wrdreg s19  }
0x1f: {  	v4 =	vlaneseq.u32;
	s0 =	sshrl.u32 s12, $0x2;
	s12 =	simm.s32 $0x11C80;
	[dreg:$0x8] =	wrdreg s3  }
0x20: {  	v1 =	vmul.u32 $0x4, v4;
	s9 =	smax.u32 s11, $0x1;
	s20 =	simm.s32 $0x15C80;
	[dreg:$0xf] =	wrdreg s12  }
0x21: {  	vm0 =	vmmov $0xffff;
	v2 =	vand.u32 $0x7, v4;
	s11 =	simm.s32 $0xAC80;
	s3 =	simm.s32 $0x10480;
	[dreg:$0x16] =	wrdreg s20  }
0x22: {  	v3 =	vshrl.u32 v4, $0x3;
	s19 =	simm.s32 $0x15480;
	s20 =	simm.s32 $0xDC80;
	v0 =	vor.u32 s0, v1;
	v1 =	vor.u32 $0x40, v1;
	[dreg:$0xd] =	wrdreg s3  }
0x23: {  	v4 =	vor.u32 $0x8, v4;
	v3 =	vmul.u32 $0x8, v3;
	[dreg:$0x15] =	wrdreg s19;
	v1 =	vor.u32 s0, v1;
	s3 =	simm.s32 $0x4;
	s0 =	simm.s32 $0x8  }
.LBB2_1:
0x24: {  	[tilespmem:$0x0] =	vst v0  }
0x25: {  	[tilespmem:$0x10] =	vst v1;
	s5 =	rddreg [dreg:$0x0];
	s12 =	simm.s32 $0x20;
	s17 =	simm.s32 $0x80  }
0x26: {  	[tilespmem:s17], [sflag:$0x9] =	stream.indirect.gather [hbm4b:s5+s12], $0x80, s4, s12, $0xb8;
	[tilespmem:$0x19C80] =	vst v63  }
0x27: {  	_ =	swait.ge [sflag:s13], $0x1000  }
0x28: {  	[sflag:s13] =	ssyncset.done $0x0  }
0x29: {  	s18 =	simm.s32 $0x1880;
	s17 =	rddreg [dreg:$0x1d];
	[sflag:s13] =	ssyncadd.s32 $0xFFFFF000  }
0x2a: {  	[tilespmem:s18], [sflag:$0xA] =	stream.linear.gather [hbm4b:s17+s4], $0x200, $0x38;
	[tilespmem:$0x19C80] =	vst v63  }
0x2b: {  	_ =	swait.ge [sflag:s15], $0x200  }
0x2c: {  	[sflag:s15] =	ssyncset.done $0x0  }
0x2d: {  	[sflag:s15] =	ssyncadd.s32 $0xFFFFFE00  }
0x2e: {  	v5 =	vld [tilespmem:s10+$0x0];
	_ =	sdelay $0x1  }
0x2f: {  	s19 =	sand.u32 $0x1E00, s4  }
0x30: {  	s18 =	sand.u32 $0x10, s4;
	s17 =	sshrl.u32 s19, $0x2  }
0x31: {  	s18 =	sor.u32 s18, s17  }
0x32: {  	s19 =	simm.s32 $0x0;
	s17 =	simm.s32 $0x100;
	[tilespmem:s18+$0x1080] =	vst v5;
	s18 =	sadd.s32 $0x80, s10  }
.LBB2_2:
0x33: {  	v5 =	vld [tilespmem:s18+$0x0];
	p0 =	sne.s32 s17, $0x1F00;
	s12 =	smov.u32 s17;
	s17 =	sadd.s32 $0x100, s17  }
.Ltmp0:
0x34: {  	(pc) =	sbr.rel @p0 .LBB2_2-.Ltmp0, $4  }
0x35: {  	s19 =	sadd.s32 $0x10, s19;
	s12 =	sand.u32 $0x1E00, s12  }
0x36: {  	s5 =	sand.u32 $0x10, s19;
	s12 =	sshrl.u32 s12, $0x2  }
0x37: {  	s5 =	sor.u32 s5, s12  }
0x38: {  	s18 =	sadd.s32 $0x80, s18;
	[tilespmem:s5+$0x1080] =	vst v5  }
0x39: {  	s17 =	simm.s32 $0x0  }
0x3a: {  	v5 =	vld [tilespmem:s17+$0x1880];
	_ =	sdelay $0x2  }
0x3b: {  	s18 =	simm.s32 $0x40  }
.LBB2_4:
0x3c: {  	p0 =	sne.s32 s18, $0x7C0  }
.Ltmp1:
0x3d: {  	s5 =	sshra.s32 s18, $0x2;
	s18 =	sadd.s32 $0x40, s18;
	v6 =	vsub.f32 $1.000000000e+00, v5;
	(pc) =	sbr.rel @p0 .LBB2_4-.Ltmp1, $3  }
0x3e: {  	v5 =	vld [tilespmem:s5+$0x1880]  }
0x3f: {  	v6 =	vmul.f32 $-1.000000000e+04, v6;
	_ =	sdelay $0x1  }
0x40: {  	[tilespmem:s17+$0x1A80] =	vst v6;
	s17 =	smov.u32 s5  }
0x41: {  	_ = 	snop  }
0x42: {  	v5 =	vsub.f32 $1.000000000e+00, v5;
	_ =	sdelay $0x1  }
0x43: {  	v5 =	vmul.f32 $-1.000000000e+04, v5;
	_ =	sdelay $0x1  }
0x44: {  	[tilespmem:s17+$0x1A80] =	vst v5  }
0x45: {  	v5 =	vld [tilespmem:$0x1080];
	_ =	sdelay $0x4  }
0x46: {  	v6 =	vshrl.u32 v5, $0x3  }
0x47: {  	v6 =	vmul.u32 $0x30, v6  }
0x48: {  	v5 =	vand.u32 $0x7, v5  }
0x49: {  	v5 =	vor.u32 v5, v6  }
0x4a: {  	v6 =	vperm.xlane v5, v2;
	_ =	sdelay $0x1  }
0x4b: {  	v6 =	vadd.s32 v3, v6;
	_ =	sdelay $0x3  }
0x4c: {  	s17 =	simm.s32 $0x0;
	v5 =	vperm.xlane v5, v4  }
0x4d: {  	[tilespmem:s16], [sflag:$0x1] =	stream.indirect_vreg.gather [hbm4b:s2+s17], $0x80, v6, vm0, $0xb8;
	[tilespmem:$0x19C80] =	vst v63  }
0x4e: {  	s5 =	simm.s32 $0x2480;
	v5 =	vadd.s32 v3, v5  }
0x4f: {  	[tilespmem:s5], [sflag:$0x1] =	stream.indirect_vreg.gather [hbm4b:s6+s17], $0x80, v6, vm0, $0xb8;
	[tilespmem:$0x19C80] =	vst v63  }
0x50: {  	s19 =	simm.s32 $0x2C80  }
0x51: {  	[tilespmem:s19], [sflag:$0x1] =	stream.indirect_vreg.gather [hbm4b:s7+s17], $0x80, v6, vm0, $0xb8;
	[tilespmem:$0x19C80] =	vst v63  }
0x52: {  	s12 =	simm.s32 $0x3480  }
0x53: {  	[tilespmem:s12], [sflag:$0x1] =	stream.indirect_vreg.gather [hbm4b:s2+s17], $0x80, v5, vm0, $0xb8;
	[tilespmem:$0x19C80] =	vst v63  }
0x54: {  	s18 =	simm.s32 $0x3C80  }
0x55: {  	[tilespmem:s18], [sflag:$0x1] =	stream.indirect_vreg.gather [hbm4b:s6+s17], $0x80, v5, vm0, $0xb8;
	[tilespmem:$0x19C80] =	vst v63  }
0x56: {  	s19 =	simm.s32 $0x4480  }
0x57: {  	[tilespmem:s19], [sflag:$0x1] =	stream.indirect_vreg.gather [hbm4b:s7+s17], $0x80, v5, vm0, $0xb8;
	[tilespmem:$0x19C80] =	vst v63  }
0x58: {  	v5 =	vld [tilespmem:$0x1090];
	_ =	sdelay $0x4  }
0x59: {  	v6 =	vshrl.u32 v5, $0x3  }
0x5a: {  	v6 =	vmul.u32 $0x30, v6  }
0x5b: {  	v5 =	vand.u32 $0x7, v5  }
0x5c: {  	v5 =	vor.u32 v5, v6  }
0x5d: {  	v6 =	vperm.xlane v5, v2;
	_ =	sdelay $0x1  }
0x5e: {  	v6 =	vadd.s32 v3, v6;
	_ =	sdelay $0x3  }
0x5f: {  	v5 =	vperm.xlane v5, v4  }
0x60: {  	[tilespmem:s22], [sflag:$0x1] =	stream.indirect_vreg.gather [hbm4b:s2+s17], $0x80, v6, vm0, $0xb8;
	[tilespmem:$0x19C80] =	vst v63  }
0x61: {  	s12 =	simm.s32 $0x5480;
	v5 =	vadd.s32 v3, v5  }
0x62: {  	[tilespmem:s12], [sflag:$0x1] =	stream.indirect_vreg.gather [hbm4b:s6+s17], $0x80, v6, vm0, $0xb8;
	[tilespmem:$0x19C80] =	vst v63  }
0x63: {  	s18 =	simm.s32 $0x5C80  }
0x64: {  	[tilespmem:s18], [sflag:$0x1] =	stream.indirect_vreg.gather [hbm4b:s7+s17], $0x80, v6, vm0, $0xb8;
	[tilespmem:$0x19C80] =	vst v63  }
0x65: {  	s19 =	simm.s32 $0x6480  }
0x66: {  	[tilespmem:s19], [sflag:$0x1] =	stream.indirect_vreg.gather [hbm4b:s2+s17], $0x80, v5, vm0, $0xb8;
	[tilespmem:$0x19C80] =	vst v63  }
0x67: {  	s12 =	simm.s32 $0x6C80  }
0x68: {  	[tilespmem:s12], [sflag:$0x1] =	stream.indirect_vreg.gather [hbm4b:s6+s17], $0x80, v5, vm0, $0xb8;
	[tilespmem:$0x19C80] =	vst v63  }
0x69: {  	s18 =	simm.s32 $0x7480  }
0x6a: {  	[tilespmem:s18], [sflag:$0x1] =	stream.indirect_vreg.gather [hbm4b:s7+s17], $0x80, v5, vm0, $0xb8;
	[tilespmem:$0x19C80] =	vst v63  }
0x6b: {  	v5 =	vld [tilespmem:$0x1100];
	_ =	sdelay $0x4  }
0x6c: {  	v6 =	vshrl.u32 v5, $0x3  }
0x6d: {  	v6 =	vmul.u32 $0x30, v6  }
0x6e: {  	v5 =	vand.u32 $0x7, v5  }
0x6f: {  	v5 =	vor.u32 v5, v6  }
0x70: {  	v6 =	vperm.xlane v5, v2;
	_ =	sdelay $0x1  }
0x71: {  	v6 =	vadd.s32 v3, v6;
	_ =	sdelay $0x3  }
0x72: {  	v5 =	vperm.xlane v5, v4  }
0x73: {  	[tilespmem:s29], [sflag:$0x2] =	stream.indirect_vreg.gather [hbm4b:s2+s17], $0x80, v6, vm0, $0xb8;
	[tilespmem:$0x19C80] =	vst v63  }
0x74: {  	s19 =	simm.s32 $0x8480;
	v5 =	vadd.s32 v3, v5  }
0x75: {  	[tilespmem:s19], [sflag:$0x2] =	stream.indirect_vreg.gather [hbm4b:s6+s17], $0x80, v6, vm0, $0xb8;
	[tilespmem:$0x19C80] =	vst v63  }
0x76: {  	s12 =	simm.s32 $0x8C80  }
0x77: {  	[tilespmem:s12], [sflag:$0x2] =	stream.indirect_vreg.gather [hbm4b:s7+s17], $0x80, v6, vm0, $0xb8;
	[tilespmem:$0x19C80] =	vst v63  }
0x78: {  	s18 =	simm.s32 $0x9480  }
0x79: {  	[tilespmem:s18], [sflag:$0x2] =	stream.indirect_vreg.gather [hbm4b:s2+s17], $0x80, v5, vm0, $0xb8;
	[tilespmem:$0x19C80] =	vst v63  }
0x7a: {  	s19 =	simm.s32 $0x9C80  }
0x7b: {  	[tilespmem:s19], [sflag:$0x2] =	stream.indirect_vreg.gather [hbm4b:s6+s17], $0x80, v5, vm0, $0xb8;
	[tilespmem:$0x19C80] =	vst v63  }
0x7c: {  	s12 =	simm.s32 $0xA480  }
0x7d: {  	[tilespmem:s12], [sflag:$0x2] =	stream.indirect_vreg.gather [hbm4b:s7+s17], $0x80, v5, vm0, $0xb8;
	[tilespmem:$0x19C80] =	vst v63  }
0x7e: {  	v5 =	vld [tilespmem:$0x1110];
	_ =	sdelay $0x4  }
0x7f: {  	v6 =	vshrl.u32 v5, $0x3  }
0x80: {  	v6 =	vmul.u32 $0x30, v6  }
0x81: {  	v5 =	vand.u32 $0x7, v5  }
0x82: {  	v5 =	vor.u32 v5, v6  }
0x83: {  	v6 =	vperm.xlane v5, v2;
	_ =	sdelay $0x1  }
0x84: {  	v6 =	vadd.s32 v3, v6;
	_ =	sdelay $0x3  }
0x85: {  	v5 =	vperm.xlane v5, v4  }
0x86: {  	[tilespmem:s11], [sflag:$0x2] =	stream.indirect_vreg.gather [hbm4b:s2+s17], $0x80, v6, vm0, $0xb8;
	[tilespmem:$0x19C80] =	vst v63  }
0x87: {  	s18 =	simm.s32 $0xB480;
	v5 =	vadd.s32 v3, v5  }
0x88: {  	[tilespmem:s18], [sflag:$0x2] =	stream.indirect_vreg.gather [hbm4b:s6+s17], $0x80, v6, vm0, $0xb8;
	[tilespmem:$0x19C80] =	vst v63  }
0x89: {  	s19 =	simm.s32 $0xBC80  }
0x8a: {  	[tilespmem:s19], [sflag:$0x2] =	stream.indirect_vreg.gather [hbm4b:s7+s17], $0x80, v6, vm0, $0xb8;
	[tilespmem:$0x19C80] =	vst v63  }
0x8b: {  	s12 =	simm.s32 $0xC480  }
0x8c: {  	[tilespmem:s12], [sflag:$0x2] =	stream.indirect_vreg.gather [hbm4b:s2+s17], $0x80, v5, vm0, $0xb8;
	[tilespmem:$0x19C80] =	vst v63  }
0x8d: {  	s18 =	simm.s32 $0xCC80  }
0x8e: {  	[tilespmem:s18], [sflag:$0x2] =	stream.indirect_vreg.gather [hbm4b:s6+s17], $0x80, v5, vm0, $0xb8;
	[tilespmem:$0x19C80] =	vst v63  }
0x8f: {  	s19 =	simm.s32 $0xD480;
	s18 =	simm.s32 $0x1200  }
0x90: {  	[tilespmem:s19], [sflag:$0x2] =	stream.indirect_vreg.gather [hbm4b:s7+s17], $0x80, v5, vm0, $0xb8;
	[tilespmem:$0x19C80] =	vst v63  }
.LBB2_6:
0x91: {  	p0 =	seq.s32 s17, $0x0  }
0x92: {  	s5 =	simm.s32 @!p0 $0x7  }
0x93: {  	_ =	swait.ge @!p0 [sflag:s5], $0x6000  }
0x94: {  	[sflag:s5] =	ssyncset.done @!p0 $0x0  }
0x95: {  	[sflag:s5] =	ssyncadd.s32 @!p0 $0xFFFFA000  }
0x96: {  	v5 =	vld [tilespmem:s18+$0xFFFFFF80];
	_ =	sdelay $0x4  }
0x97: {  	v6 =	vshrl.u32 v5, $0x3  }
0x98: {  	v6 =	vmul.u32 $0x30, v6  }
0x99: {  	v5 =	vand.u32 $0x7, v5  }
0x9a: {  	v5 =	vor.u32 v5, v6  }
0x9b: {  	v6 =	vperm.xlane v5, v2;
	_ =	sdelay $0x1  }
0x9c: {  	v6 =	vadd.s32 v3, v6;
	_ =	sdelay $0x3  }
0x9d: {  	v5 =	vperm.xlane v5, v4  }
0x9e: {  	[tilespmem:s20], [sflag:$0x3] =	stream.indirect_vreg.gather [hbm4b:s2+s4], $0x80, v6, vm0, $0xb8;
	[tilespmem:$0x19C80] =	vst v63  }
0x9f: {  	s19 =	rddreg [dreg:$0x9];
	v5 =	vadd.s32 v3, v5  }
0xa0: {  	[tilespmem:s19], [sflag:$0x3] =	stream.indirect_vreg.gather [hbm4b:s6+s4], $0x80, v6, vm0, $0xb8;
	[tilespmem:$0x19C80] =	vst v63  }
0xa1: {  	s12 =	rddreg [dreg:$0xa]  }
0xa2: {  	[tilespmem:s12], [sflag:$0x3] =	stream.indirect_vreg.gather [hbm4b:s7+s4], $0x80, v6, vm0, $0xb8;
	[tilespmem:$0x19C80] =	vst v63  }
0xa3: {  	s19 =	rddreg [dreg:$0xb]  }
0xa4: {  	[tilespmem:s19], [sflag:$0x3] =	stream.indirect_vreg.gather [hbm4b:s2+s4], $0x80, v5, vm0, $0xb8;
	[tilespmem:$0x19C80] =	vst v63  }
0xa5: {  	s12 =	rddreg [dreg:$0xc]  }
0xa6: {  	[tilespmem:s12], [sflag:$0x3] =	stream.indirect_vreg.gather [hbm4b:s6+s4], $0x80, v5, vm0, $0xb8;
	[tilespmem:$0x19C80] =	vst v63  }
0xa7: {  	s19 =	rddreg [dreg:$0xd]  }
0xa8: {  	[tilespmem:s19], [sflag:$0x3] =	stream.indirect_vreg.gather [hbm4b:s7+s4], $0x80, v5, vm0, $0xb8;
	[tilespmem:$0x19C80] =	vst v63  }
0xa9: {  	v5 =	vld [tilespmem:s18+$0xFFFFFF90];
	_ =	sdelay $0x4  }
0xaa: {  	v6 =	vshrl.u32 v5, $0x3  }
0xab: {  	v6 =	vmul.u32 $0x30, v6  }
0xac: {  	v5 =	vand.u32 $0x7, v5  }
0xad: {  	v5 =	vor.u32 v5, v6  }
0xae: {  	v6 =	vperm.xlane v5, v2;
	_ =	sdelay $0x1  }
0xaf: {  	v6 =	vadd.s32 v3, v6;
	_ =	sdelay $0x3  }
0xb0: {  	v5 =	vperm.xlane v5, v4  }
0xb1: {  	[tilespmem:s21], [sflag:$0x3] =	stream.indirect_vreg.gather [hbm4b:s2+s4], $0x80, v6, vm0, $0xb8;
	[tilespmem:$0x19C80] =	vst v63  }
0xb2: {  	s19 =	rddreg [dreg:$0xe];
	v5 =	vadd.s32 v3, v5  }
0xb3: {  	[tilespmem:s19], [sflag:$0x3] =	stream.indirect_vreg.gather [hbm4b:s6+s4], $0x80, v6, vm0, $0xb8;
	[tilespmem:$0x19C80] =	vst v63  }
0xb4: {  	s12 =	rddreg [dreg:$0xf]  }
0xb5: {  	[tilespmem:s12], [sflag:$0x3] =	stream.indirect_vreg.gather [hbm4b:s7+s4], $0x80, v6, vm0, $0xb8;
	[tilespmem:$0x19C80] =	vst v63  }
0xb6: {  	s19 =	rddreg [dreg:$0x10]  }
0xb7: {  	[tilespmem:s19], [sflag:$0x3] =	stream.indirect_vreg.gather [hbm4b:s2+s4], $0x80, v5, vm0, $0xb8;
	[tilespmem:$0x19C80] =	vst v63  }
0xb8: {  	s12 =	rddreg [dreg:$0x11]  }
0xb9: {  	[tilespmem:s12], [sflag:$0x3] =	stream.indirect_vreg.gather [hbm4b:s6+s4], $0x80, v5, vm0, $0xb8;
	[tilespmem:$0x19C80] =	vst v63  }
0xba: {  	s19 =	rddreg [dreg:$0x12]  }
0xbb: {  	[tilespmem:s19], [sflag:$0x3] =	stream.indirect_vreg.gather [hbm4b:s7+s4], $0x80, v5, vm0, $0xb8;
	[tilespmem:$0x19C80] =	vst v63  }
0xbc: {  	_ =	swait.ge [sflag:s23], $0x6000  }
0xbd: {  	s12 =	rddreg [dreg:$0x7];
	[sflag:s23] =	ssyncset.done $0x0  }
0xbe: {  	[sflag:s23] =	ssyncadd.s32 $0xFFFFA000;
	s5 =	sadd.s32 s17, s12  }
0xbf: {  	[hbm4b:s5+s4] =	stream.linear.scatter [tilespmem:s16], [sflag:$0x5], $0x3000, $0x38;
	[tilespmem:$0x19C80] =	vst v63  }
0xc0: {  	s12 =	simm.s32 @!p0 $0x8;
	s19 =	sadd.s32 $0xC000, s5  }
0xc1: {  	[hbm4b:s19+s4] =	stream.linear.scatter [tilespmem:s22], [sflag:$0x5], $0x3000, $0x38;
	[tilespmem:$0x19C80] =	vst v63  }
0xc2: {  	_ =	swait.ge @!p0 [sflag:s12], $0x6000  }
0xc3: {  	[sflag:s12] =	ssyncset.done @!p0 $0x0  }
0xc4: {  	[sflag:s12] =	ssyncadd.s32 @!p0 $0xFFFFA000  }
0xc5: {  	v5 =	vld [tilespmem:s18+$0x0];
	_ =	sdelay $0x4  }
0xc6: {  	v6 =	vshrl.u32 v5, $0x3  }
0xc7: {  	v6 =	vmul.u32 $0x30, v6  }
0xc8: {  	v5 =	vand.u32 $0x7, v5  }
0xc9: {  	v5 =	vor.u32 v5, v6  }
0xca: {  	v6 =	vperm.xlane v5, v2;
	_ =	sdelay $0x1  }
0xcb: {  	v6 =	vadd.s32 v3, v6;
	_ =	sdelay $0x3  }
0xcc: {  	v5 =	vperm.xlane v5, v4  }
0xcd: {  	[tilespmem:s24], [sflag:$0x4] =	stream.indirect_vreg.gather [hbm4b:s2+s4], $0x80, v6, vm0, $0xb8;
	[tilespmem:$0x19C80] =	vst v63  }
0xce: {  	s12 =	rddreg [dreg:$0x13];
	v5 =	vadd.s32 v3, v5  }
0xcf: {  	[tilespmem:s12], [sflag:$0x4] =	stream.indirect_vreg.gather [hbm4b:s6+s4], $0x80, v6, vm0, $0xb8;
	[tilespmem:$0x19C80] =	vst v63  }
0xd0: {  	s19 =	rddreg [dreg:$0x14]  }
0xd1: {  	[tilespmem:s19], [sflag:$0x4] =	stream.indirect_vreg.gather [hbm4b:s7+s4], $0x80, v6, vm0, $0xb8;
	[tilespmem:$0x19C80] =	vst v63  }
0xd2: {  	s12 =	rddreg [dreg:$0x15]  }
0xd3: {  	[tilespmem:s12], [sflag:$0x4] =	stream.indirect_vreg.gather [hbm4b:s2+s4], $0x80, v5, vm0, $0xb8;
	[tilespmem:$0x19C80] =	vst v63  }
0xd4: {  	s19 =	rddreg [dreg:$0x16]  }
0xd5: {  	[tilespmem:s19], [sflag:$0x4] =	stream.indirect_vreg.gather [hbm4b:s6+s4], $0x80, v5, vm0, $0xb8;
	[tilespmem:$0x19C80] =	vst v63  }
0xd6: {  	s12 =	rddreg [dreg:$0x17]  }
0xd7: {  	[tilespmem:s12], [sflag:$0x4] =	stream.indirect_vreg.gather [hbm4b:s7+s4], $0x80, v5, vm0, $0xb8;
	[tilespmem:$0x19C80] =	vst v63  }
0xd8: {  	v5 =	vld [tilespmem:s18+$0x10];
	_ =	sdelay $0x4  }
0xd9: {  	v6 =	vshrl.u32 v5, $0x3  }
0xda: {  	v6 =	vmul.u32 $0x30, v6  }
0xdb: {  	v5 =	vand.u32 $0x7, v5  }
0xdc: {  	v5 =	vor.u32 v5, v6  }
0xdd: {  	v6 =	vperm.xlane v5, v2;
	_ =	sdelay $0x1  }
0xde: {  	v6 =	vadd.s32 v3, v6;
	_ =	sdelay $0x3  }
0xdf: {  	v5 =	vperm.xlane v5, v4  }
0xe0: {  	[tilespmem:s25], [sflag:$0x4] =	stream.indirect_vreg.gather [hbm4b:s2+s4], $0x80, v6, vm0, $0xb8;
	[tilespmem:$0x19C80] =	vst v63  }
0xe1: {  	s12 =	rddreg [dreg:$0x18];
	v5 =	vadd.s32 v3, v5  }
0xe2: {  	[tilespmem:s12], [sflag:$0x4] =	stream.indirect_vreg.gather [hbm4b:s6+s4], $0x80, v6, vm0, $0xb8;
	[tilespmem:$0x19C80] =	vst v63  }
0xe3: {  	s19 =	rddreg [dreg:$0x19]  }
0xe4: {  	[tilespmem:s19], [sflag:$0x4] =	stream.indirect_vreg.gather [hbm4b:s7+s4], $0x80, v6, vm0, $0xb8;
	[tilespmem:$0x19C80] =	vst v63  }
0xe5: {  	s12 =	rddreg [dreg:$0x1a]  }
0xe6: {  	[tilespmem:s12], [sflag:$0x4] =	stream.indirect_vreg.gather [hbm4b:s2+s4], $0x80, v5, vm0, $0xb8;
	[tilespmem:$0x19C80] =	vst v63  }
0xe7: {  	s19 =	rddreg [dreg:$0x1b]  }
0xe8: {  	[tilespmem:s19], [sflag:$0x4] =	stream.indirect_vreg.gather [hbm4b:s6+s4], $0x80, v5, vm0, $0xb8;
	[tilespmem:$0x19C80] =	vst v63  }
0xe9: {  	s12 =	rddreg [dreg:$0x1c]  }
0xea: {  	[tilespmem:s12], [sflag:$0x4] =	stream.indirect_vreg.gather [hbm4b:s7+s4], $0x80, v5, vm0, $0xb8;
	[tilespmem:$0x19C80] =	vst v63  }
0xeb: {  	_ =	swait.ge [sflag:s26], $0x6000  }
0xec: {  	[sflag:s26] =	ssyncset.done $0x0  }
0xed: {  	s19 =	sadd.s32 $0x18000, s5;
	[sflag:s26] =	ssyncadd.s32 $0xFFFFA000  }
0xee: {  	[hbm4b:s19+s4] =	stream.linear.scatter [tilespmem:s29], [sflag:$0x6], $0x3000, $0x38;
	[tilespmem:$0x19C80] =	vst v63  }
0xef: {  	s5 =	sadd.s32 $0x24000, s5  }
0xf0: {  	[hbm4b:s5+s4] =	stream.linear.scatter [tilespmem:s11], [sflag:$0x6], $0x3000, $0x38;
	[tilespmem:$0x19C80] =	vst v63  }
0xf1: {  	_ =	swait.ge [sflag:s28], $0x6000  }
0xf2: {  	[sflag:s28] =	ssyncset.done $0x0  }
0xf3: {  	p0 =	seq.s32 s17, $0x120000;
	[sflag:s28] =	ssyncadd.s32 $0xFFFFA000  }
0xf4: {  	v5 =	vld @!p0 [tilespmem:s18+$0x80];
	_ =	sdelay $0x4  }
0xf5: {  	v6 =	vshrl.u32 @!p0 v5, $0x3  }
0xf6: {  	v6 =	vmul.u32 @!p0 $0x30, v6  }
0xf7: {  	v7 =	vlaneseq.u32 @!p0;
	v5 =	vand.u32 @!p0 $0x7, v5  }
0xf8: {  	v8 =	vshrl.u32 @!p0 v7, $0x3;
	v5 =	vor.u32 @!p0 v5, v6;
	v6 =	vand.u32 @!p0 $0x7, v7  }
0xf9: {  	v8 =	vmul.u32 @!p0 $0x8, v8;
	v9 =	vperm.xlane @!p0 v5, v6;
	_ =	sdelay $0x1  }
0xfa: {  	v9 =	vadd.s32 @!p0 v8, v9;
	_ =	sdelay $0x2  }
0xfb: {  	v7 =	vor.u32 @!p0 $0x8, v7  }
0xfc: {  	vm1 =	vmmov @!p0 $0xffff;
	s19 =	simm.s32 @!p0 $0x0;
	s5 =	simm.s32 @!p0 $0x1C80;
	v5 =	vperm.xlane @!p0 v5, v7  }
0xfd: {  	[tilespmem:s5], [sflag:$0x1] =	stream.indirect_vreg.gather @!p0 [hbm4b:s2+s19], $0x80, v9, vm1, $0xb8;
	[tilespmem:$0x19C80] =	vst v63  }
0xfe: {  	v5 =	vadd.s32 @!p0 v8, v5;
	s5 =	simm.s32 @!p0 $0x2480  }
0xff: {  	[tilespmem:s5], [sflag:$0x1] =	stream.indirect_vreg.gather @!p0 [hbm4b:s6+s19], $0x80, v9, vm1, $0xb8;
	[tilespmem:$0x19C80] =	vst v63  }
0x100: {  	s5 =	simm.s32 @!p0 $0x2C80  }
0x101: {  	[tilespmem:s5], [sflag:$0x1] =	stream.indirect_vreg.gather @!p0 [hbm4b:s7+s19], $0x80, v9, vm1, $0xb8;
	[tilespmem:$0x19C80] =	vst v63  }
0x102: {  	s5 =	simm.s32 @!p0 $0x3480  }
0x103: {  	[tilespmem:s5], [sflag:$0x1] =	stream.indirect_vreg.gather @!p0 [hbm4b:s2+s19], $0x80, v5, vm1, $0xb8;
	[tilespmem:$0x19C80] =	vst v63  }
0x104: {  	s5 =	simm.s32 @!p0 $0x3C80  }
0x105: {  	[tilespmem:s5], [sflag:$0x1] =	stream.indirect_vreg.gather @!p0 [hbm4b:s6+s19], $0x80, v5, vm1, $0xb8;
	[tilespmem:$0x19C80] =	vst v63  }
0x106: {  	s5 =	simm.s32 @!p0 $0x4480  }
0x107: {  	[tilespmem:s5], [sflag:$0x1] =	stream.indirect_vreg.gather @!p0 [hbm4b:s7+s19], $0x80, v5, vm1, $0xb8;
	[tilespmem:$0x19C80] =	vst v63  }
0x108: {  	v5 =	vld @!p0 [tilespmem:s18+$0x90];
	_ =	sdelay $0x4  }
0x109: {  	v9 =	vshrl.u32 @!p0 v5, $0x3  }
0x10a: {  	v9 =	vmul.u32 @!p0 $0x30, v9  }
0x10b: {  	v5 =	vand.u32 @!p0 $0x7, v5  }
0x10c: {  	v5 =	vor.u32 @!p0 v5, v9  }
0x10d: {  	v9 =	vperm.xlane @!p0 v5, v6;
	_ =	sdelay $0x1  }
0x10e: {  	v9 =	vadd.s32 @!p0 v8, v9;
	_ =	sdelay $0x3  }
0x10f: {  	s5 =	simm.s32 @!p0 $0x4C80;
	v5 =	vperm.xlane @!p0 v5, v7  }
0x110: {  	[tilespmem:s5], [sflag:$0x1] =	stream.indirect_vreg.gather @!p0 [hbm4b:s2+s19], $0x80, v9, vm1, $0xb8;
	[tilespmem:$0x19C80] =	vst v63  }
0x111: {  	v5 =	vadd.s32 @!p0 v8, v5;
	s5 =	simm.s32 @!p0 $0x5480  }
0x112: {  	[tilespmem:s5], [sflag:$0x1] =	stream.indirect_vreg.gather @!p0 [hbm4b:s6+s19], $0x80, v9, vm1, $0xb8;
	[tilespmem:$0x19C80] =	vst v63  }
0x113: {  	s5 =	simm.s32 @!p0 $0x5C80  }
0x114: {  	[tilespmem:s5], [sflag:$0x1] =	stream.indirect_vreg.gather @!p0 [hbm4b:s7+s19], $0x80, v9, vm1, $0xb8;
	[tilespmem:$0x19C80] =	vst v63  }
0x115: {  	s5 =	simm.s32 @!p0 $0x6480  }
0x116: {  	[tilespmem:s5], [sflag:$0x1] =	stream.indirect_vreg.gather @!p0 [hbm4b:s2+s19], $0x80, v5, vm1, $0xb8;
	[tilespmem:$0x19C80] =	vst v63  }
0x117: {  	s5 =	simm.s32 @!p0 $0x6C80  }
0x118: {  	[tilespmem:s5], [sflag:$0x1] =	stream.indirect_vreg.gather @!p0 [hbm4b:s6+s19], $0x80, v5, vm1, $0xb8;
	[tilespmem:$0x19C80] =	vst v63  }
0x119: {  	s5 =	simm.s32 @!p0 $0x7480  }
0x11a: {  	[tilespmem:s5], [sflag:$0x1] =	stream.indirect_vreg.gather @!p0 [hbm4b:s7+s19], $0x80, v5, vm1, $0xb8;
	[tilespmem:$0x19C80] =	vst v63  }
0x11b: {  	_ =	swait.ge [sflag:s30], $0x6000  }
0x11c: {  	s12 =	rddreg [dreg:$0x6];
	[sflag:s30] =	ssyncset.done $0x0  }
0x11d: {  	[sflag:s30] =	ssyncadd.s32 $0xFFFFA000;
	s5 =	sadd.s32 s17, s12  }
0x11e: {  	[hbm4b:s5+s4] =	stream.linear.scatter [tilespmem:s20], [sflag:$0x7], $0x3000, $0x38;
	[tilespmem:$0x19C80] =	vst v63  }
0x11f: {  	s5 =	sadd.s32 $0xC000, s5  }
0x120: {  	[hbm4b:s5+s4] =	stream.linear.scatter [tilespmem:s21], [sflag:$0x7], $0x3000, $0x38;
	[tilespmem:$0x19C80] =	vst v63  }
0x121: {  	_ =	swait.ge [sflag:s31], $0x6000  }
0x122: {  	[sflag:s31] =	ssyncset.done $0x0  }
0x123: {  	[sflag:s31] =	ssyncadd.s32 $0xFFFFA000  }
0x124: {  	v5 =	vld @!p0 [tilespmem:s18+$0x100];
	_ =	sdelay $0x4  }
0x125: {  	v9 =	vshrl.u32 @!p0 v5, $0x3  }
0x126: {  	v9 =	vmul.u32 @!p0 $0x30, v9  }
0x127: {  	v5 =	vand.u32 @!p0 $0x7, v5  }
0x128: {  	v5 =	vor.u32 @!p0 v5, v9  }
0x129: {  	v9 =	vperm.xlane @!p0 v5, v6;
	_ =	sdelay $0x1  }
0x12a: {  	v9 =	vadd.s32 @!p0 v8, v9;
	_ =	sdelay $0x3  }
0x12b: {  	s5 =	simm.s32 @!p0 $0x7C80;
	v5 =	vperm.xlane @!p0 v5, v7  }
0x12c: {  	[tilespmem:s5], [sflag:$0x2] =	stream.indirect_vreg.gather @!p0 [hbm4b:s2+s19], $0x80, v9, vm1, $0xb8;
	[tilespmem:$0x19C80] =	vst v63  }
0x12d: {  	v5 =	vadd.s32 @!p0 v8, v5;
	s5 =	simm.s32 @!p0 $0x8480  }
0x12e: {  	[tilespmem:s5], [sflag:$0x2] =	stream.indirect_vreg.gather @!p0 [hbm4b:s6+s19], $0x80, v9, vm1, $0xb8;
	[tilespmem:$0x19C80] =	vst v63  }
0x12f: {  	s5 =	simm.s32 @!p0 $0x8C80  }
0x130: {  	[tilespmem:s5], [sflag:$0x2] =	stream.indirect_vreg.gather @!p0 [hbm4b:s7+s19], $0x80, v9, vm1, $0xb8;
	[tilespmem:$0x19C80] =	vst v63  }
0x131: {  	s5 =	simm.s32 @!p0 $0x9480  }
0x132: {  	[tilespmem:s5], [sflag:$0x2] =	stream.indirect_vreg.gather @!p0 [hbm4b:s2+s19], $0x80, v5, vm1, $0xb8;
	[tilespmem:$0x19C80] =	vst v63  }
0x133: {  	s5 =	simm.s32 @!p0 $0x9C80  }
0x134: {  	[tilespmem:s5], [sflag:$0x2] =	stream.indirect_vreg.gather @!p0 [hbm4b:s6+s19], $0x80, v5, vm1, $0xb8;
	[tilespmem:$0x19C80] =	vst v63  }
0x135: {  	s5 =	simm.s32 @!p0 $0xA480  }
0x136: {  	[tilespmem:s5], [sflag:$0x2] =	stream.indirect_vreg.gather @!p0 [hbm4b:s7+s19], $0x80, v5, vm1, $0xb8;
	[tilespmem:$0x19C80] =	vst v63  }
0x137: {  	v5 =	vld @!p0 [tilespmem:s18+$0x110];
	_ =	sdelay $0x4  }
0x138: {  	v9 =	vshrl.u32 @!p0 v5, $0x3  }
0x139: {  	v9 =	vmul.u32 @!p0 $0x30, v9  }
0x13a: {  	v5 =	vand.u32 @!p0 $0x7, v5  }
0x13b: {  	v5 =	vor.u32 @!p0 v5, v9  }
0x13c: {  	v6 =	vperm.xlane @!p0 v5, v6;
	_ =	sdelay $0x1  }
0x13d: {  	v6 =	vadd.s32 @!p0 v8, v6;
	_ =	sdelay $0x3  }
0x13e: {  	s5 =	simm.s32 @!p0 $0xAC80;
	v5 =	vperm.xlane @!p0 v5, v7  }
0x13f: {  	[tilespmem:s5], [sflag:$0x2] =	stream.indirect_vreg.gather @!p0 [hbm4b:s2+s19], $0x80, v6, vm1, $0xb8;
	[tilespmem:$0x19C80] =	vst v63  }
0x140: {  	v5 =	vadd.s32 @!p0 v8, v5;
	s5 =	simm.s32 @!p0 $0xB480  }
0x141: {  	[tilespmem:s5], [sflag:$0x2] =	stream.indirect_vreg.gather @!p0 [hbm4b:s6+s19], $0x80, v6, vm1, $0xb8;
	[tilespmem:$0x19C80] =	vst v63  }
0x142: {  	s5 =	simm.s32 @!p0 $0xBC80  }
0x143: {  	[tilespmem:s5], [sflag:$0x2] =	stream.indirect_vreg.gather @!p0 [hbm4b:s7+s19], $0x80, v6, vm1, $0xb8;
	[tilespmem:$0x19C80] =	vst v63  }
0x144: {  	s5 =	simm.s32 @!p0 $0xC480  }
0x145: {  	[tilespmem:s5], [sflag:$0x2] =	stream.indirect_vreg.gather @!p0 [hbm4b:s2+s19], $0x80, v5, vm1, $0xb8;
	[tilespmem:$0x19C80] =	vst v63  }
0x146: {  	s5 =	simm.s32 @!p0 $0xCC80  }
0x147: {  	[tilespmem:s5], [sflag:$0x2] =	stream.indirect_vreg.gather @!p0 [hbm4b:s6+s19], $0x80, v5, vm1, $0xb8;
	[tilespmem:$0x19C80] =	vst v63  }
0x148: {  	s5 =	simm.s32 @!p0 $0xD480  }
0x149: {  	[tilespmem:s5], [sflag:$0x2] =	stream.indirect_vreg.gather @!p0 [hbm4b:s7+s19], $0x80, v5, vm1, $0xb8;
	[tilespmem:$0x19C80] =	vst v63  }
0x14a: {  	_ =	swait.ge [sflag:s3], $0x6000  }
0x14b: {  	s19 =	rddreg [dreg:$0x8]  }
0x14c: {  	s5 =	sadd.s32 s17, s19;
	s17 =	sadd.s32 $0x60000, s17  }
0x14d: {  	p0 =	sne.s32 s17, $0x180000  }
.Ltmp2:
0x14e: {  	[sflag:s3] =	ssyncset.done $0x0;
	(pc) =	sbr.rel @p0 .LBB2_6-.Ltmp2, $4  }
0x14f: {  	[sflag:s3] =	ssyncadd.s32 $0xFFFFA000  }
0x150: {  	[hbm4b:s5+s4] =	stream.linear.scatter [tilespmem:s24], [sflag:$0x8], $0x3000, $0x38;
	[tilespmem:$0x19C80] =	vst v63  }
0x151: {  	s18 =	sadd.s32 $0x200, s18;
	s5 =	sadd.s32 $0xC000, s5  }
0x152: {  	[hbm4b:s5+s4] =	stream.linear.scatter [tilespmem:s25], [sflag:$0x8], $0x3000, $0x38;
	[tilespmem:$0x19C80] =	vst v63  }
0x153: {  	_ =	swait.ge [sflag:s1], $0x6000  }
0x154: {  	[sflag:s1] =	ssyncset.done $0x0  }
0x155: {  	[sflag:s1] =	ssyncadd.s32 $0xFFFFA000  }
0x156: {  	s14 =	sadd.s32 $0x1, s14;
	_ =	swait.ge [sflag:s0], $0x6000  }
0x157: {  	p0 =	sne.s32 s14, s9;
	[sflag:s0] =	ssyncset.done $0x0  }
.Ltmp3:
0x158: {  	s5 =	simm.s32 $0x1A80;
	[sflag:s0] =	ssyncadd.s32 $0xFFFFA000;
	(pc) =	sbr.rel @p0 .LBB2_1-.Ltmp3, $4  }
0x159: {  	[hbm4b:s8+s4] =	stream.linear.scatter [tilespmem:s5], [sflag:$0xA], $0x200, $0x38;
	[tilespmem:$0x19C80] =	vst v63  }
0x15a: {  	_ =	swait.ge [sflag:s15], $0x200  }
0x15b: {  	[sflag:s15] =	ssyncset.done $0x0  }
0x15c: {  	[sflag:s15] =	ssyncadd.s32 $0xFFFFFE00  }
0x15d: {  	_ =	sfence.sel $0x180000  }
0x15e: {  	[bflag:$0x0] =	sbarrier.arrive $0xFFFF  }
0x15f: {  	_ =	strace $0x90000047  }
0x160: {  	s0 =	stileid.u32;
	[bflag:$0x2] =	sbarrier.arrive $0xFFFF  }
0x161: {  	p0 =	sne.s32 s0, $0x0;
	s0 =	rddreg [dreg:$0x5]  }
0x162: {  	s0 =	sadd.s32 @!p0 $0x100000, s0  }
0x163: {  	[sflag:s0] =	ssyncadd.tile.s32 @!p0 $0x1;
	_ =	shalt  }
.Lfunc_end2:
_tile_overlayer_lowered:
.L_overlay_start_2:
0x164: {  	(tag) =	ssettag $0x2  }
0x165: {  	s0 =	rddreg [dreg:$0x0];
	s2 =	stileid.u32  }
0x166: {  	s1 =	rddreg [dreg:$0x1];
	p0 =	sne.s32 s2, $0x0  }
0x167: {  	s3 =	rddreg [dreg:$0x2];
	[bflag:$0x3] =	sbarrier.arrive $0xFFFF;
	s2 =	simm.s32 @!p0 $0x1C0A  }
0x168: {  	[timem:s3], [sflag:s2] =	dma.local @!p0 [hbm:s0], s1  }
0x169: {  	s0 =	simm.s32 @!p0 $0xA  }
0x16a: {  	_ =	swait.ge @!p0 [sflag:s0], s1  }
0x16b: {  	s1 =	ssub.s32 @!p0 $0x0, s1;
	[sflag:s0] =	ssyncset.done @!p0 $0x0  }
0x16c: {  	[sflag:s0] =	ssyncadd.s32 @!p0 s1  }
0x16d: {  	[bflag:$0x3] =	sbarrier.arrive $0xFFFF  }
0x16e: {  	_ =	shalt  }

</sc_bundles>
